<compile_context>
chip_gen: v7x
topology: tpu7x:2x2x1
jax: 0.10.2.dev20260603
libtpu: 0.0.44.dev20260713+nightly
codegen_flags: <defaults>
</compile_context>

<pallas_src>
import jax
import jax.numpy as jnp
from jax import lax
from jax.experimental import pallas as pl
from jax.experimental.pallas import tpu as pltpu
from jax.experimental.pallas import tpu_sc as plsc

NC = 2
NS = 16
NW = NC * NS

BATCH = 4096
HIST = 50
EMBED_DIM = 64

TOTAL = BATCH * HIST
PER_W = TOTAL // NW
CHUNK = 128
K = PER_W // CHUNK
PH = 5
ROWS = PH * CHUNK
NPH = K // PH


def _gather_body(ids_hbm, table_hbm, out_hbm, idx_v, big0, big1, gs0, gs1,
                 os0, os1):
    big = (big0, big1)
    gsem = (gs0, gs1)
    osem = (os0, os1)
    wid = lax.axis_index("s") * NC + lax.axis_index("c")
    base = wid * PER_W
    pltpu.sync_copy(ids_hbm.at[wid], idx_v)

    def fire(t, p):
        for c in range(PH):
            pltpu.async_copy(table_hbm.at[idx_v.at[t * PH + c]],
                             big[p].at[pl.ds(c * CHUNK, CHUNK)], gsem[p])

    def drain(t, p):
        for c in range(PH):
            pltpu.make_async_copy(table_hbm.at[idx_v.at[t * PH + c]],
                                  big[p].at[pl.ds(c * CHUNK, CHUNK)],
                                  gsem[p]).wait()

    def wstart(t, p):
        pltpu.async_copy(big[p], out_hbm.at[pl.ds(base + t * ROWS, ROWS)],
                         osem[p])

    def wwait(t, p):
        pltpu.make_async_copy(big[p],
                              out_hbm.at[pl.ds(base + t * ROWS, ROWS)],
                              osem[p]).wait()

    fire(0, 0)
    drain(0, 0)
    wstart(0, 0)
    fire(1, 1)
    drain(1, 1)
    wstart(1, 1)
    wwait(0, 0)
    fire(2, 0)

    def grp(q, _):
        t = 2 * q
        drain(t, 0)
        wstart(t, 0)
        wwait(t - 1, 1)
        fire(t + 1, 1)
        drain(t + 1, 1)
        wstart(t + 1, 1)
        wwait(t, 0)

        @pl.when(q < NPH // 2 - 1)
        def _():
            fire(t + 2, 0)

        return _

    lax.fori_loop(1, NPH // 2, grp, None)
    wwait(NPH - 1, 1)


@jax.jit
def _embed(ids3, table):
    mesh = plsc.VectorSubcoreMesh(core_axis_name="c", subcore_axis_name="s")
    run = pl.kernel(
        _gather_body,
        out_type=jax.ShapeDtypeStruct((TOTAL, EMBED_DIM), jnp.float32),
        mesh=mesh,
        scratch_types=[
            pltpu.VMEM((K, CHUNK), jnp.int32),
            pltpu.VMEM((ROWS, EMBED_DIM), jnp.float32),
            pltpu.VMEM((ROWS, EMBED_DIM), jnp.float32),
            pltpu.SemaphoreType.DMA,
            pltpu.SemaphoreType.DMA,
            pltpu.SemaphoreType.DMA,
            pltpu.SemaphoreType.DMA,
        ],
        compiler_params=pltpu.CompilerParams(use_tc_tiling_on_sc=False,
                                             skip_device_barrier=True),
    )
    return run(ids3, table)


def kernel(input_ids, embed_tokens_weight):
    ids3 = input_ids.astype(jnp.int32).reshape(NW, K, CHUNK)
    out = _embed(ids3, embed_tokens_weight)
    return out.reshape(BATCH, HIST, EMBED_DIM)

# --- scband reference (transcript-rebuilt; emitter-appended) ---
"""Pipeline reference for scband-embedding-15736760172644 (READ-ONLY COPY).

The authoritative reference and input builder live on the scoring server;
editing this copy changes nothing except your own understanding.
"""

import jax, jax.numpy as jnp
import numpy as np

VOCAB = 1000000
EMBED_DIM = 64
BATCH = 4096
HIST = 50

def setup_inputs(seed: int = 0) -> dict:
    key = jax.random.key(seed)
    k_idx, k_tab = jax.random.split(key)
    input_ids = jax.random.randint(k_idx, (BATCH, HIST), 0, VOCAB, dtype=jnp.int64 if jax.config.jax_enable_x64 else jnp.int32)
    embed_tokens_weight = jax.random.normal(k_tab, (VOCAB, EMBED_DIM), dtype=jnp.float32) * 0.02
    return {"input_ids": input_ids, "embed_tokens_weight": embed_tokens_weight}

def reference(input_ids, embed_tokens_weight):
    # out = transformer.embed_tokens(input_ids); return out.float()
    out = jnp.take(embed_tokens_weight, input_ids, axis=0)
    return out.astype(jnp.float32)

if __name__ == "__main__":
    import jax
    _d = setup_inputs()
    print(jax.jit(kernel)(*tuple(_d.values())))

</pallas_src>

<mosaic_0001>
#map = affine_map<(d0, d1) -> (0, 0, 0)>
#map1 = affine_map<(d0, d1) -> (0, 0)>
module attributes {stable_mosaic.version = 14 : i64} {
  func.func @_gather_body(%arg0: i32, %arg1: i32, %arg2: memref<32x50x128xi32, #tpu.memory_space<hbm>>, %arg3: memref<1000000x64xf32, #tpu.memory_space<hbm>>, %arg4: memref<204800x64xf32, #tpu.memory_space<hbm>>, %arg5: memref<50x128xi32, #tpu.memory_space<vmem>>, %arg6: memref<640x64xf32, #tpu.memory_space<vmem>>, %arg7: memref<640x64xf32, #tpu.memory_space<vmem>>, %arg8: memref<!tpu.dma_semaphore, #tpu.memory_space<semaphore_mem>>, %arg9: memref<!tpu.dma_semaphore, #tpu.memory_space<semaphore_mem>>, %arg10: memref<!tpu.dma_semaphore, #tpu.memory_space<semaphore_mem>>, %arg11: memref<!tpu.dma_semaphore, #tpu.memory_space<semaphore_mem>>) attributes {dimension_semantics = [#tpu.dimension_semantics<core_parallel>, #tpu.dimension_semantics<subcore_parallel>], iteration_bounds = array<i64: 2, 16>, scalar_prefetch = 0 : i64, scratch_operands = 7 : i64, tpu.core_type = #tpu.core_type<sc_vector_subcore>, window_params = [{transform_indices = #map}, {transform_indices = #map1}, {transform_indices = #map1}]} {
    %mul3A = arith.constant 2 : i32
    %mul3A_0 = arith.muli %arg1, %mul3A : i32
    %add3A = arith.addi %mul3A_0, %arg0 : i32
    %mul3A_1 = arith.constant 6400 : i32
    %mul3A_2 = arith.muli %add3A, %mul3A_1 : i32
    "tpu.region"() ({
      %run_scoped3A = tpu.sem_alloc : memref<!tpu.dma_semaphore, #tpu.memory_space<semaphore_mem>>
      %dma_start3A_279 = arith.constant 0 : i32
      %dma_start3A_280 = arith.constant 0 : i32
      %dma_start3A_281 = tpu.memref_slice %arg2[%add3A, %dma_start3A_279, %dma_start3A_280] : memref<32x50x128xi32, #tpu.memory_space<hbm>> -> memref<1x50x128xi32, #tpu.memory_space<hbm>>
      %dma_start3A_282 = tpu.memref_squeeze %dma_start3A_281 : memref<1x50x128xi32, #tpu.memory_space<hbm>> -> memref<50x128xi32, #tpu.memory_space<hbm>>
      %dma_start3A_283 = arith.constant 0 : i32
      %dma_start3A_284 = arith.constant 0 : i32
      %dma_start3A_285 = tpu.memref_slice %arg2[%add3A, %dma_start3A_283, %dma_start3A_284] : memref<32x50x128xi32, #tpu.memory_space<hbm>> -> memref<1x50x128xi32, #tpu.memory_space<hbm>>
      %dma_start3A_286 = tpu.memref_squeeze %dma_start3A_285 : memref<1x50x128xi32, #tpu.memory_space<hbm>> -> memref<50x128xi32, #tpu.memory_space<hbm>>
      tpu.enqueue_dma source(%dma_start3A_286 : memref<50x128xi32, #tpu.memory_space<hbm>>) target(%arg5 : memref<50x128xi32, #tpu.memory_space<vmem>>) target_semaphore(%run_scoped3A : memref<!tpu.dma_semaphore, #tpu.memory_space<semaphore_mem>>)
      %dma_wait3A_287 = arith.constant 0 : i32
      %dma_wait3A_288 = arith.constant 0 : i32
      %dma_wait3A_289 = tpu.memref_slice %arg2[%add3A, %dma_wait3A_287, %dma_wait3A_288] : memref<32x50x128xi32, #tpu.memory_space<hbm>> -> memref<1x50x128xi32, #tpu.memory_space<hbm>>
      %dma_wait3A_290 = tpu.memref_squeeze %dma_wait3A_289 : memref<1x50x128xi32, #tpu.memory_space<hbm>> -> memref<50x128xi32, #tpu.memory_space<hbm>>
      %dma_wait3A_291 = arith.constant 0 : i32
      %dma_wait3A_292 = arith.constant 0 : i32
      %dma_wait3A_293 = tpu.memref_slice %arg2[%add3A, %dma_wait3A_291, %dma_wait3A_292] : memref<32x50x128xi32, #tpu.memory_space<hbm>> -> memref<1x50x128xi32, #tpu.memory_space<hbm>>
      %dma_wait3A_294 = tpu.memref_squeeze %dma_wait3A_293 : memref<1x50x128xi32, #tpu.memory_space<hbm>> -> memref<50x128xi32, #tpu.memory_space<hbm>>
      tpu.wait_dma2 semaphore(%run_scoped3A : memref<!tpu.dma_semaphore, #tpu.memory_space<semaphore_mem>>) src(%dma_wait3A_294 : memref<50x128xi32, #tpu.memory_space<hbm>>) dst(%arg5 : memref<50x128xi32, #tpu.memory_space<vmem>>)
      tpu.yield
    }) : () -> ()
    %dma_start3A = arith.constant 0 : i32
    %dma_start3A_3 = arith.constant 0 : i32
    %dma_start3A_4 = arith.constant 0 : i32
    %dma_start3A_5 = tpu.memref_slice %arg6[%dma_start3A_3, %dma_start3A_4] : memref<640x64xf32, #tpu.memory_space<vmem>> -> memref<128x64xf32, #tpu.memory_space<vmem>>
    %dma_start3A_6 = arith.constant 0 : i32
    %dma_start3A_7 = tpu.memref_slice %arg5[%dma_start3A, %dma_start3A_6] : memref<50x128xi32, #tpu.memory_space<vmem>> -> memref<1x128xi32, #tpu.memory_space<vmem>>
    %dma_start3A_8 = tpu.memref_squeeze %dma_start3A_7 : memref<1x128xi32, #tpu.memory_space<vmem>> -> memref<128xi32, #tpu.memory_space<vmem>>
    %dma_start3A_9 = arith.constant 0 : i32
    %dma_start3A_10 = arith.constant 0 : i32
    %dma_start3A_11 = tpu.memref_slice %arg3[%dma_start3A_9, %dma_start3A_10] : memref<1000000x64xf32, #tpu.memory_space<hbm>> -> memref<1000000x64xf32, #tpu.memory_space<hbm>>
    tpu.enqueue_indirect_dma source(%dma_start3A_11 : memref<1000000x64xf32, #tpu.memory_space<hbm>>) target(%dma_start3A_5 : memref<128x64xf32, #tpu.memory_space<vmem>>) offsets(%dma_start3A_8 : memref<128xi32, #tpu.memory_space<vmem>>) semaphore(%arg8 : memref<!tpu.dma_semaphore, #tpu.memory_space<semaphore_mem>>)
    %dma_start3A_12 = arith.constant 1 : i32
    %dma_start3A_13 = arith.constant 128 : i32
    %dma_start3A_14 = arith.constant 0 : i32
    %dma_start3A_15 = tpu.memref_slice %arg6[%dma_start3A_13, %dma_start3A_14] : memref<640x64xf32, #tpu.memory_space<vmem>> -> memref<128x64xf32, #tpu.memory_space<vmem>>
    %dma_start3A_16 = arith.constant 0 : i32
    %dma_start3A_17 = tpu.memref_slice %arg5[%dma_start3A_12, %dma_start3A_16] : memref<50x128xi32, #tpu.memory_space<vmem>> -> memref<1x128xi32, #tpu.memory_space<vmem>>
    %dma_start3A_18 = tpu.memref_squeeze %dma_start3A_17 : memref<1x128xi32, #tpu.memory_space<vmem>> -> memref<128xi32, #tpu.memory_space<vmem>>
    %dma_start3A_19 = arith.constant 0 : i32
    %dma_start3A_20 = arith.constant 0 : i32
    %dma_start3A_21 = tpu.memref_slice %arg3[%dma_start3A_19, %dma_start3A_20] : memref<1000000x64xf32, #tpu.memory_space<hbm>> -> memref<1000000x64xf32, #tpu.memory_space<hbm>>
    tpu.enqueue_indirect_dma source(%dma_start3A_21 : memref<1000000x64xf32, #tpu.memory_space<hbm>>) target(%dma_start3A_15 : memref<128x64xf32, #tpu.memory_space<vmem>>) offsets(%dma_start3A_18 : memref<128xi32, #tpu.memory_space<vmem>>) semaphore(%arg8 : memref<!tpu.dma_semaphore, #tpu.memory_space<semaphore_mem>>)
    %dma_start3A_22 = arith.constant 2 : i32
    %dma_start3A_23 = arith.constant 256 : i32
    %dma_start3A_24 = arith.constant 0 : i32
    %dma_start3A_25 = tpu.memref_slice %arg6[%dma_start3A_23, %dma_start3A_24] : memref<640x64xf32, #tpu.memory_space<vmem>> -> memref<128x64xf32, #tpu.memory_space<vmem>>
    %dma_start3A_26 = arith.constant 0 : i32
    %dma_start3A_27 = tpu.memref_slice %arg5[%dma_start3A_22, %dma_start3A_26] : memref<50x128xi32, #tpu.memory_space<vmem>> -> memref<1x128xi32, #tpu.memory_space<vmem>>
    %dma_start3A_28 = tpu.memref_squeeze %dma_start3A_27 : memref<1x128xi32, #tpu.memory_space<vmem>> -> memref<128xi32, #tpu.memory_space<vmem>>
    %dma_start3A_29 = arith.constant 0 : i32
    %dma_start3A_30 = arith.constant 0 : i32
    %dma_start3A_31 = tpu.memref_slice %arg3[%dma_start3A_29, %dma_start3A_30] : memref<1000000x64xf32, #tpu.memory_space<hbm>> -> memref<1000000x64xf32, #tpu.memory_space<hbm>>
    tpu.enqueue_indirect_dma source(%dma_start3A_31 : memref<1000000x64xf32, #tpu.memory_space<hbm>>) target(%dma_start3A_25 : memref<128x64xf32, #tpu.memory_space<vmem>>) offsets(%dma_start3A_28 : memref<128xi32, #tpu.memory_space<vmem>>) semaphore(%arg8 : memref<!tpu.dma_semaphore, #tpu.memory_space<semaphore_mem>>)
    %dma_start3A_32 = arith.constant 3 : i32
    %dma_start3A_33 = arith.constant 384 : i32
    %dma_start3A_34 = arith.constant 0 : i32
    %dma_start3A_35 = tpu.memref_slice %arg6[%dma_start3A_33, %dma_start3A_34] : memref<640x64xf32, #tpu.memory_space<vmem>> -> memref<128x64xf32, #tpu.memory_space<vmem>>
    %dma_start3A_36 = arith.constant 0 : i32
    %dma_start3A_37 = tpu.memref_slice %arg5[%dma_start3A_32, %dma_start3A_36] : memref<50x128xi32, #tpu.memory_space<vmem>> -> memref<1x128xi32, #tpu.memory_space<vmem>>
    %dma_start3A_38 = tpu.memref_squeeze %dma_start3A_37 : memref<1x128xi32, #tpu.memory_space<vmem>> -> memref<128xi32, #tpu.memory_space<vmem>>
    %dma_start3A_39 = arith.constant 0 : i32
    %dma_start3A_40 = arith.constant 0 : i32
    %dma_start3A_41 = tpu.memref_slice %arg3[%dma_start3A_39, %dma_start3A_40] : memref<1000000x64xf32, #tpu.memory_space<hbm>> -> memref<1000000x64xf32, #tpu.memory_space<hbm>>
    tpu.enqueue_indirect_dma source(%dma_start3A_41 : memref<1000000x64xf32, #tpu.memory_space<hbm>>) target(%dma_start3A_35 : memref<128x64xf32, #tpu.memory_space<vmem>>) offsets(%dma_start3A_38 : memref<128xi32, #tpu.memory_space<vmem>>) semaphore(%arg8 : memref<!tpu.dma_semaphore, #tpu.memory_space<semaphore_mem>>)
    %dma_start3A_42 = arith.constant 4 : i32
    %dma_start3A_43 = arith.constant 512 : i32
    %dma_start3A_44 = arith.constant 0 : i32
    %dma_start3A_45 = tpu.memref_slice %arg6[%dma_start3A_43, %dma_start3A_44] : memref<640x64xf32, #tpu.memory_space<vmem>> -> memref<128x64xf32, #tpu.memory_space<vmem>>
    %dma_start3A_46 = arith.constant 0 : i32
    %dma_start3A_47 = tpu.memref_slice %arg5[%dma_start3A_42, %dma_start3A_46] : memref<50x128xi32, #tpu.memory_space<vmem>> -> memref<1x128xi32, #tpu.memory_space<vmem>>
    %dma_start3A_48 = tpu.memref_squeeze %dma_start3A_47 : memref<1x128xi32, #tpu.memory_space<vmem>> -> memref<128xi32, #tpu.memory_space<vmem>>
    %dma_start3A_49 = arith.constant 0 : i32
    %dma_start3A_50 = arith.constant 0 : i32
    %dma_start3A_51 = tpu.memref_slice %arg3[%dma_start3A_49, %dma_start3A_50] : memref<1000000x64xf32, #tpu.memory_space<hbm>> -> memref<1000000x64xf32, #tpu.memory_space<hbm>>
    tpu.enqueue_indirect_dma source(%dma_start3A_51 : memref<1000000x64xf32, #tpu.memory_space<hbm>>) target(%dma_start3A_45 : memref<128x64xf32, #tpu.memory_space<vmem>>) offsets(%dma_start3A_48 : memref<128xi32, #tpu.memory_space<vmem>>) semaphore(%arg8 : memref<!tpu.dma_semaphore, #tpu.memory_space<semaphore_mem>>)
    %dma_wait3A = arith.constant 0 : i32
    %dma_wait3A_52 = arith.constant 0 : i32
    %dma_wait3A_53 = arith.constant 0 : i32
    %dma_wait3A_54 = tpu.memref_slice %arg6[%dma_wait3A_52, %dma_wait3A_53] : memref<640x64xf32, #tpu.memory_space<vmem>> -> memref<128x64xf32, #tpu.memory_space<vmem>>
    %dma_wait3A_55 = arith.constant 0 : i32
    %dma_wait3A_56 = tpu.memref_slice %arg5[%dma_wait3A, %dma_wait3A_55] : memref<50x128xi32, #tpu.memory_space<vmem>> -> memref<1x128xi32, #tpu.memory_space<vmem>>
    %dma_wait3A_57 = tpu.memref_squeeze %dma_wait3A_56 : memref<1x128xi32, #tpu.memory_space<vmem>> -> memref<128xi32, #tpu.memory_space<vmem>>
    %dma_wait3A_58 = arith.constant 0 : i32
    %dma_wait3A_59 = arith.constant 0 : i32
    %dma_wait3A_60 = tpu.memref_slice %arg3[%dma_wait3A_58, %dma_wait3A_59] : memref<1000000x64xf32, #tpu.memory_space<hbm>> -> memref<1000000x64xf32, #tpu.memory_space<hbm>>
    tpu.wait_indirect_dma semaphore(%arg8 : memref<!tpu.dma_semaphore, #tpu.memory_space<semaphore_mem>>) src(%dma_wait3A_60 : memref<1000000x64xf32, #tpu.memory_space<hbm>>) dst(%dma_wait3A_54 : memref<128x64xf32, #tpu.memory_space<vmem>>)
    %dma_wait3A_61 = arith.constant 1 : i32
    %dma_wait3A_62 = arith.constant 128 : i32
    %dma_wait3A_63 = arith.constant 0 : i32
    %dma_wait3A_64 = tpu.memref_slice %arg6[%dma_wait3A_62, %dma_wait3A_63] : memref<640x64xf32, #tpu.memory_space<vmem>> -> memref<128x64xf32, #tpu.memory_space<vmem>>
    %dma_wait3A_65 = arith.constant 0 : i32
    %dma_wait3A_66 = tpu.memref_slice %arg5[%dma_wait3A_61, %dma_wait3A_65] : memref<50x128xi32, #tpu.memory_space<vmem>> -> memref<1x128xi32, #tpu.memory_space<vmem>>
    %dma_wait3A_67 = tpu.memref_squeeze %dma_wait3A_66 : memref<1x128xi32, #tpu.memory_space<vmem>> -> memref<128xi32, #tpu.memory_space<vmem>>
    %dma_wait3A_68 = arith.constant 0 : i32
    %dma_wait3A_69 = arith.constant 0 : i32
    %dma_wait3A_70 = tpu.memref_slice %arg3[%dma_wait3A_68, %dma_wait3A_69] : memref<1000000x64xf32, #tpu.memory_space<hbm>> -> memref<1000000x64xf32, #tpu.memory_space<hbm>>
    tpu.wait_indirect_dma semaphore(%arg8 : memref<!tpu.dma_semaphore, #tpu.memory_space<semaphore_mem>>) src(%dma_wait3A_70 : memref<1000000x64xf32, #tpu.memory_space<hbm>>) dst(%dma_wait3A_64 : memref<128x64xf32, #tpu.memory_space<vmem>>)
    %dma_wait3A_71 = arith.constant 2 : i32
    %dma_wait3A_72 = arith.constant 256 : i32
    %dma_wait3A_73 = arith.constant 0 : i32
    %dma_wait3A_74 = tpu.memref_slice %arg6[%dma_wait3A_72, %dma_wait3A_73] : memref<640x64xf32, #tpu.memory_space<vmem>> -> memref<128x64xf32, #tpu.memory_space<vmem>>
    %dma_wait3A_75 = arith.constant 0 : i32
    %dma_wait3A_76 = tpu.memref_slice %arg5[%dma_wait3A_71, %dma_wait3A_75] : memref<50x128xi32, #tpu.memory_space<vmem>> -> memref<1x128xi32, #tpu.memory_space<vmem>>
    %dma_wait3A_77 = tpu.memref_squeeze %dma_wait3A_76 : memref<1x128xi32, #tpu.memory_space<vmem>> -> memref<128xi32, #tpu.memory_space<vmem>>
    %dma_wait3A_78 = arith.constant 0 : i32
    %dma_wait3A_79 = arith.constant 0 : i32
    %dma_wait3A_80 = tpu.memref_slice %arg3[%dma_wait3A_78, %dma_wait3A_79] : memref<1000000x64xf32, #tpu.memory_space<hbm>> -> memref<1000000x64xf32, #tpu.memory_space<hbm>>
    tpu.wait_indirect_dma semaphore(%arg8 : memref<!tpu.dma_semaphore, #tpu.memory_space<semaphore_mem>>) src(%dma_wait3A_80 : memref<1000000x64xf32, #tpu.memory_space<hbm>>) dst(%dma_wait3A_74 : memref<128x64xf32, #tpu.memory_space<vmem>>)
    %dma_wait3A_81 = arith.constant 3 : i32
    %dma_wait3A_82 = arith.constant 384 : i32
    %dma_wait3A_83 = arith.constant 0 : i32
    %dma_wait3A_84 = tpu.memref_slice %arg6[%dma_wait3A_82, %dma_wait3A_83] : memref<640x64xf32, #tpu.memory_space<vmem>> -> memref<128x64xf32, #tpu.memory_space<vmem>>
    %dma_wait3A_85 = arith.constant 0 : i32
    %dma_wait3A_86 = tpu.memref_slice %arg5[%dma_wait3A_81, %dma_wait3A_85] : memref<50x128xi32, #tpu.memory_space<vmem>> -> memref<1x128xi32, #tpu.memory_space<vmem>>
    %dma_wait3A_87 = tpu.memref_squeeze %dma_wait3A_86 : memref<1x128xi32, #tpu.memory_space<vmem>> -> memref<128xi32, #tpu.memory_space<vmem>>
    %dma_wait3A_88 = arith.constant 0 : i32
    %dma_wait3A_89 = arith.constant 0 : i32
    %dma_wait3A_90 = tpu.memref_slice %arg3[%dma_wait3A_88, %dma_wait3A_89] : memref<1000000x64xf32, #tpu.memory_space<hbm>> -> memref<1000000x64xf32, #tpu.memory_space<hbm>>
    tpu.wait_indirect_dma semaphore(%arg8 : memref<!tpu.dma_semaphore, #tpu.memory_space<semaphore_mem>>) src(%dma_wait3A_90 : memref<1000000x64xf32, #tpu.memory_space<hbm>>) dst(%dma_wait3A_84 : memref<128x64xf32, #tpu.memory_space<vmem>>)
    %dma_wait3A_91 = arith.constant 4 : i32
    %dma_wait3A_92 = arith.constant 512 : i32
    %dma_wait3A_93 = arith.constant 0 : i32
    %dma_wait3A_94 = tpu.memref_slice %arg6[%dma_wait3A_92, %dma_wait3A_93] : memref<640x64xf32, #tpu.memory_space<vmem>> -> memref<128x64xf32, #tpu.memory_space<vmem>>
    %dma_wait3A_95 = arith.constant 0 : i32
    %dma_wait3A_96 = tpu.memref_slice %arg5[%dma_wait3A_91, %dma_wait3A_95] : memref<50x128xi32, #tpu.memory_space<vmem>> -> memref<1x128xi32, #tpu.memory_space<vmem>>
    %dma_wait3A_97 = tpu.memref_squeeze %dma_wait3A_96 : memref<1x128xi32, #tpu.memory_space<vmem>> -> memref<128xi32, #tpu.memory_space<vmem>>
    %dma_wait3A_98 = arith.constant 0 : i32
    %dma_wait3A_99 = arith.constant 0 : i32
    %dma_wait3A_100 = tpu.memref_slice %arg3[%dma_wait3A_98, %dma_wait3A_99] : memref<1000000x64xf32, #tpu.memory_space<hbm>> -> memref<1000000x64xf32, #tpu.memory_space<hbm>>
    tpu.wait_indirect_dma semaphore(%arg8 : memref<!tpu.dma_semaphore, #tpu.memory_space<semaphore_mem>>) src(%dma_wait3A_100 : memref<1000000x64xf32, #tpu.memory_space<hbm>>) dst(%dma_wait3A_94 : memref<128x64xf32, #tpu.memory_space<vmem>>)
    %add3A_101 = arith.constant 0 : i32
    %add3A_102 = arith.addi %mul3A_2, %add3A_101 : i32
    %dma_start3A_103 = arith.constant 0 : i32
    %dma_start3A_104 = tpu.memref_slice %arg4[%add3A_102, %dma_start3A_103] : memref<204800x64xf32, #tpu.memory_space<hbm>> -> memref<640x64xf32, #tpu.memory_space<hbm>>
    %dma_start3A_105 = arith.constant 0 : i32
    %dma_start3A_106 = tpu.memref_slice %arg4[%add3A_102, %dma_start3A_105] : memref<204800x64xf32, #tpu.memory_space<hbm>> -> memref<640x64xf32, #tpu.memory_space<hbm>>
    tpu.enqueue_dma source(%arg6 : memref<640x64xf32, #tpu.memory_space<vmem>>) target(%dma_start3A_106 : memref<640x64xf32, #tpu.memory_space<hbm>>) target_semaphore(%arg10 : memref<!tpu.dma_semaphore, #tpu.memory_space<semaphore_mem>>)
    %dma_start3A_107 = arith.constant 5 : i32
    %dma_start3A_108 = arith.constant 0 : i32
    %dma_start3A_109 = arith.constant 0 : i32
    %dma_start3A_110 = tpu.memref_slice %arg7[%dma_start3A_108, %dma_start3A_109] : memref<640x64xf32, #tpu.memory_space<vmem>> -> memref<128x64xf32, #tpu.memory_space<vmem>>
    %dma_start3A_111 = arith.constant 0 : i32
    %dma_start3A_112 = tpu.memref_slice %arg5[%dma_start3A_107, %dma_start3A_111] : memref<50x128xi32, #tpu.memory_space<vmem>> -> memref<1x128xi32, #tpu.memory_space<vmem>>
    %dma_start3A_113 = tpu.memref_squeeze %dma_start3A_112 : memref<1x128xi32, #tpu.memory_space<vmem>> -> memref<128xi32, #tpu.memory_space<vmem>>
    %dma_start3A_114 = arith.constant 0 : i32
    %dma_start3A_115 = arith.constant 0 : i32
    %dma_start3A_116 = tpu.memref_slice %arg3[%dma_start3A_114, %dma_start3A_115] : memref<1000000x64xf32, #tpu.memory_space<hbm>> -> memref<1000000x64xf32, #tpu.memory_space<hbm>>
    tpu.enqueue_indirect_dma source(%dma_start3A_116 : memref<1000000x64xf32, #tpu.memory_space<hbm>>) target(%dma_start3A_110 : memref<128x64xf32, #tpu.memory_space<vmem>>) offsets(%dma_start3A_113 : memref<128xi32, #tpu.memory_space<vmem>>) semaphore(%arg9 : memref<!tpu.dma_semaphore, #tpu.memory_space<semaphore_mem>>)
    %dma_start3A_117 = arith.constant 6 : i32
    %dma_start3A_118 = arith.constant 128 : i32
    %dma_start3A_119 = arith.constant 0 : i32
    %dma_start3A_120 = tpu.memref_slice %arg7[%dma_start3A_118, %dma_start3A_119] : memref<640x64xf32, #tpu.memory_space<vmem>> -> memref<128x64xf32, #tpu.memory_space<vmem>>
    %dma_start3A_121 = arith.constant 0 : i32
    %dma_start3A_122 = tpu.memref_slice %arg5[%dma_start3A_117, %dma_start3A_121] : memref<50x128xi32, #tpu.memory_space<vmem>> -> memref<1x128xi32, #tpu.memory_space<vmem>>
    %dma_start3A_123 = tpu.memref_squeeze %dma_start3A_122 : memref<1x128xi32, #tpu.memory_space<vmem>> -> memref<128xi32, #tpu.memory_space<vmem>>
    %dma_start3A_124 = arith.constant 0 : i32
    %dma_start3A_125 = arith.constant 0 : i32
    %dma_start3A_126 = tpu.memref_slice %arg3[%dma_start3A_124, %dma_start3A_125] : memref<1000000x64xf32, #tpu.memory_space<hbm>> -> memref<1000000x64xf32, #tpu.memory_space<hbm>>
    tpu.enqueue_indirect_dma source(%dma_start3A_126 : memref<1000000x64xf32, #tpu.memory_space<hbm>>) target(%dma_start3A_120 : memref<128x64xf32, #tpu.memory_space<vmem>>) offsets(%dma_start3A_123 : memref<128xi32, #tpu.memory_space<vmem>>) semaphore(%arg9 : memref<!tpu.dma_semaphore, #tpu.memory_space<semaphore_mem>>)
    %dma_start3A_127 = arith.constant 7 : i32
    %dma_start3A_128 = arith.constant 256 : i32
    %dma_start3A_129 = arith.constant 0 : i32
    %dma_start3A_130 = tpu.memref_slice %arg7[%dma_start3A_128, %dma_start3A_129] : memref<640x64xf32, #tpu.memory_space<vmem>> -> memref<128x64xf32, #tpu.memory_space<vmem>>
    %dma_start3A_131 = arith.constant 0 : i32
    %dma_start3A_132 = tpu.memref_slice %arg5[%dma_start3A_127, %dma_start3A_131] : memref<50x128xi32, #tpu.memory_space<vmem>> -> memref<1x128xi32, #tpu.memory_space<vmem>>
    %dma_start3A_133 = tpu.memref_squeeze %dma_start3A_132 : memref<1x128xi32, #tpu.memory_space<vmem>> -> memref<128xi32, #tpu.memory_space<vmem>>
    %dma_start3A_134 = arith.constant 0 : i32
    %dma_start3A_135 = arith.constant 0 : i32
    %dma_start3A_136 = tpu.memref_slice %arg3[%dma_start3A_134, %dma_start3A_135] : memref<1000000x64xf32, #tpu.memory_space<hbm>> -> memref<1000000x64xf32, #tpu.memory_space<hbm>>
    tpu.enqueue_indirect_dma source(%dma_start3A_136 : memref<1000000x64xf32, #tpu.memory_space<hbm>>) target(%dma_start3A_130 : memref<128x64xf32, #tpu.memory_space<vmem>>) offsets(%dma_start3A_133 : memref<128xi32, #tpu.memory_space<vmem>>) semaphore(%arg9 : memref<!tpu.dma_semaphore, #tpu.memory_space<semaphore_mem>>)
    %dma_start3A_137 = arith.constant 8 : i32
    %dma_start3A_138 = arith.constant 384 : i32
    %dma_start3A_139 = arith.constant 0 : i32
    %dma_start3A_140 = tpu.memref_slice %arg7[%dma_start3A_138, %dma_start3A_139] : memref<640x64xf32, #tpu.memory_space<vmem>> -> memref<128x64xf32, #tpu.memory_space<vmem>>
    %dma_start3A_141 = arith.constant 0 : i32
    %dma_start3A_142 = tpu.memref_slice %arg5[%dma_start3A_137, %dma_start3A_141] : memref<50x128xi32, #tpu.memory_space<vmem>> -> memref<1x128xi32, #tpu.memory_space<vmem>>
    %dma_start3A_143 = tpu.memref_squeeze %dma_start3A_142 : memref<1x128xi32, #tpu.memory_space<vmem>> -> memref<128xi32, #tpu.memory_space<vmem>>
    %dma_start3A_144 = arith.constant 0 : i32
    %dma_start3A_145 = arith.constant 0 : i32
    %dma_start3A_146 = tpu.memref_slice %arg3[%dma_start3A_144, %dma_start3A_145] : memref<1000000x64xf32, #tpu.memory_space<hbm>> -> memref<1000000x64xf32, #tpu.memory_space<hbm>>
    tpu.enqueue_indirect_dma source(%dma_start3A_146 : memref<1000000x64xf32, #tpu.memory_space<hbm>>) target(%dma_start3A_140 : memref<128x64xf32, #tpu.memory_space<vmem>>) offsets(%dma_start3A_143 : memref<128xi32, #tpu.memory_space<vmem>>) semaphore(%arg9 : memref<!tpu.dma_semaphore, #tpu.memory_space<semaphore_mem>>)
    %dma_start3A_147 = arith.constant 9 : i32
    %dma_start3A_148 = arith.constant 512 : i32
    %dma_start3A_149 = arith.constant 0 : i32
    %dma_start3A_150 = tpu.memref_slice %arg7[%dma_start3A_148, %dma_start3A_149] : memref<640x64xf32, #tpu.memory_space<vmem>> -> memref<128x64xf32, #tpu.memory_space<vmem>>
    %dma_start3A_151 = arith.constant 0 : i32
    %dma_start3A_152 = tpu.memref_slice %arg5[%dma_start3A_147, %dma_start3A_151] : memref<50x128xi32, #tpu.memory_space<vmem>> -> memref<1x128xi32, #tpu.memory_space<vmem>>
    %dma_start3A_153 = tpu.memref_squeeze %dma_start3A_152 : memref<1x128xi32, #tpu.memory_space<vmem>> -> memref<128xi32, #tpu.memory_space<vmem>>
    %dma_start3A_154 = arith.constant 0 : i32
    %dma_start3A_155 = arith.constant 0 : i32
    %dma_start3A_156 = tpu.memref_slice %arg3[%dma_start3A_154, %dma_start3A_155] : memref<1000000x64xf32, #tpu.memory_space<hbm>> -> memref<1000000x64xf32, #tpu.memory_space<hbm>>
    tpu.enqueue_indirect_dma source(%dma_start3A_156 : memref<1000000x64xf32, #tpu.memory_space<hbm>>) target(%dma_start3A_150 : memref<128x64xf32, #tpu.memory_space<vmem>>) offsets(%dma_start3A_153 : memref<128xi32, #tpu.memory_space<vmem>>) semaphore(%arg9 : memref<!tpu.dma_semaphore, #tpu.memory_space<semaphore_mem>>)
    %dma_wait3A_157 = arith.constant 5 : i32
    %dma_wait3A_158 = arith.constant 0 : i32
    %dma_wait3A_159 = arith.constant 0 : i32
    %dma_wait3A_160 = tpu.memref_slice %arg7[%dma_wait3A_158, %dma_wait3A_159] : memref<640x64xf32, #tpu.memory_space<vmem>> -> memref<128x64xf32, #tpu.memory_space<vmem>>
    %dma_wait3A_161 = arith.constant 0 : i32
    %dma_wait3A_162 = tpu.memref_slice %arg5[%dma_wait3A_157, %dma_wait3A_161] : memref<50x128xi32, #tpu.memory_space<vmem>> -> memref<1x128xi32, #tpu.memory_space<vmem>>
    %dma_wait3A_163 = tpu.memref_squeeze %dma_wait3A_162 : memref<1x128xi32, #tpu.memory_space<vmem>> -> memref<128xi32, #tpu.memory_space<vmem>>
    %dma_wait3A_164 = arith.constant 0 : i32
    %dma_wait3A_165 = arith.constant 0 : i32
    %dma_wait3A_166 = tpu.memref_slice %arg3[%dma_wait3A_164, %dma_wait3A_165] : memref<1000000x64xf32, #tpu.memory_space<hbm>> -> memref<1000000x64xf32, #tpu.memory_space<hbm>>
    tpu.wait_indirect_dma semaphore(%arg9 : memref<!tpu.dma_semaphore, #tpu.memory_space<semaphore_mem>>) src(%dma_wait3A_166 : memref<1000000x64xf32, #tpu.memory_space<hbm>>) dst(%dma_wait3A_160 : memref<128x64xf32, #tpu.memory_space<vmem>>)
    %dma_wait3A_167 = arith.constant 6 : i32
    %dma_wait3A_168 = arith.constant 128 : i32
    %dma_wait3A_169 = arith.constant 0 : i32
    %dma_wait3A_170 = tpu.memref_slice %arg7[%dma_wait3A_168, %dma_wait3A_169] : memref<640x64xf32, #tpu.memory_space<vmem>> -> memref<128x64xf32, #tpu.memory_space<vmem>>
    %dma_wait3A_171 = arith.constant 0 : i32
    %dma_wait3A_172 = tpu.memref_slice %arg5[%dma_wait3A_167, %dma_wait3A_171] : memref<50x128xi32, #tpu.memory_space<vmem>> -> memref<1x128xi32, #tpu.memory_space<vmem>>
    %dma_wait3A_173 = tpu.memref_squeeze %dma_wait3A_172 : memref<1x128xi32, #tpu.memory_space<vmem>> -> memref<128xi32, #tpu.memory_space<vmem>>
    %dma_wait3A_174 = arith.constant 0 : i32
    %dma_wait3A_175 = arith.constant 0 : i32
    %dma_wait3A_176 = tpu.memref_slice %arg3[%dma_wait3A_174, %dma_wait3A_175] : memref<1000000x64xf32, #tpu.memory_space<hbm>> -> memref<1000000x64xf32, #tpu.memory_space<hbm>>
    tpu.wait_indirect_dma semaphore(%arg9 : memref<!tpu.dma_semaphore, #tpu.memory_space<semaphore_mem>>) src(%dma_wait3A_176 : memref<1000000x64xf32, #tpu.memory_space<hbm>>) dst(%dma_wait3A_170 : memref<128x64xf32, #tpu.memory_space<vmem>>)
    %dma_wait3A_177 = arith.constant 7 : i32
    %dma_wait3A_178 = arith.constant 256 : i32
    %dma_wait3A_179 = arith.constant 0 : i32
    %dma_wait3A_180 = tpu.memref_slice %arg7[%dma_wait3A_178, %dma_wait3A_179] : memref<640x64xf32, #tpu.memory_space<vmem>> -> memref<128x64xf32, #tpu.memory_space<vmem>>
    %dma_wait3A_181 = arith.constant 0 : i32
    %dma_wait3A_182 = tpu.memref_slice %arg5[%dma_wait3A_177, %dma_wait3A_181] : memref<50x128xi32, #tpu.memory_space<vmem>> -> memref<1x128xi32, #tpu.memory_space<vmem>>
    %dma_wait3A_183 = tpu.memref_squeeze %dma_wait3A_182 : memref<1x128xi32, #tpu.memory_space<vmem>> -> memref<128xi32, #tpu.memory_space<vmem>>
    %dma_wait3A_184 = arith.constant 0 : i32
    %dma_wait3A_185 = arith.constant 0 : i32
    %dma_wait3A_186 = tpu.memref_slice %arg3[%dma_wait3A_184, %dma_wait3A_185] : memref<1000000x64xf32, #tpu.memory_space<hbm>> -> memref<1000000x64xf32, #tpu.memory_space<hbm>>
    tpu.wait_indirect_dma semaphore(%arg9 : memref<!tpu.dma_semaphore, #tpu.memory_space<semaphore_mem>>) src(%dma_wait3A_186 : memref<1000000x64xf32, #tpu.memory_space<hbm>>) dst(%dma_wait3A_180 : memref<128x64xf32, #tpu.memory_space<vmem>>)
    %dma_wait3A_187 = arith.constant 8 : i32
    %dma_wait3A_188 = arith.constant 384 : i32
    %dma_wait3A_189 = arith.constant 0 : i32
    %dma_wait3A_190 = tpu.memref_slice %arg7[%dma_wait3A_188, %dma_wait3A_189] : memref<640x64xf32, #tpu.memory_space<vmem>> -> memref<128x64xf32, #tpu.memory_space<vmem>>
    %dma_wait3A_191 = arith.constant 0 : i32
    %dma_wait3A_192 = tpu.memref_slice %arg5[%dma_wait3A_187, %dma_wait3A_191] : memref<50x128xi32, #tpu.memory_space<vmem>> -> memref<1x128xi32, #tpu.memory_space<vmem>>
    %dma_wait3A_193 = tpu.memref_squeeze %dma_wait3A_192 : memref<1x128xi32, #tpu.memory_space<vmem>> -> memref<128xi32, #tpu.memory_space<vmem>>
    %dma_wait3A_194 = arith.constant 0 : i32
    %dma_wait3A_195 = arith.constant 0 : i32
    %dma_wait3A_196 = tpu.memref_slice %arg3[%dma_wait3A_194, %dma_wait3A_195] : memref<1000000x64xf32, #tpu.memory_space<hbm>> -> memref<1000000x64xf32, #tpu.memory_space<hbm>>
    tpu.wait_indirect_dma semaphore(%arg9 : memref<!tpu.dma_semaphore, #tpu.memory_space<semaphore_mem>>) src(%dma_wait3A_196 : memref<1000000x64xf32, #tpu.memory_space<hbm>>) dst(%dma_wait3A_190 : memref<128x64xf32, #tpu.memory_space<vmem>>)
    %dma_wait3A_197 = arith.constant 9 : i32
    %dma_wait3A_198 = arith.constant 512 : i32
    %dma_wait3A_199 = arith.constant 0 : i32
    %dma_wait3A_200 = tpu.memref_slice %arg7[%dma_wait3A_198, %dma_wait3A_199] : memref<640x64xf32, #tpu.memory_space<vmem>> -> memref<128x64xf32, #tpu.memory_space<vmem>>
    %dma_wait3A_201 = arith.constant 0 : i32
    %dma_wait3A_202 = tpu.memref_slice %arg5[%dma_wait3A_197, %dma_wait3A_201] : memref<50x128xi32, #tpu.memory_space<vmem>> -> memref<1x128xi32, #tpu.memory_space<vmem>>
    %dma_wait3A_203 = tpu.memref_squeeze %dma_wait3A_202 : memref<1x128xi32, #tpu.memory_space<vmem>> -> memref<128xi32, #tpu.memory_space<vmem>>
    %dma_wait3A_204 = arith.constant 0 : i32
    %dma_wait3A_205 = arith.constant 0 : i32
    %dma_wait3A_206 = tpu.memref_slice %arg3[%dma_wait3A_204, %dma_wait3A_205] : memref<1000000x64xf32, #tpu.memory_space<hbm>> -> memref<1000000x64xf32, #tpu.memory_space<hbm>>
    tpu.wait_indirect_dma semaphore(%arg9 : memref<!tpu.dma_semaphore, #tpu.memory_space<semaphore_mem>>) src(%dma_wait3A_206 : memref<1000000x64xf32, #tpu.memory_space<hbm>>) dst(%dma_wait3A_200 : memref<128x64xf32, #tpu.memory_space<vmem>>)
    %add3A_207 = arith.constant 640 : i32
    %add3A_208 = arith.addi %mul3A_2, %add3A_207 : i32
    %dma_start3A_209 = arith.constant 0 : i32
    %dma_start3A_210 = tpu.memref_slice %arg4[%add3A_208, %dma_start3A_209] : memref<204800x64xf32, #tpu.memory_space<hbm>> -> memref<640x64xf32, #tpu.memory_space<hbm>>
    %dma_start3A_211 = arith.constant 0 : i32
    %dma_start3A_212 = tpu.memref_slice %arg4[%add3A_208, %dma_start3A_211] : memref<204800x64xf32, #tpu.memory_space<hbm>> -> memref<640x64xf32, #tpu.memory_space<hbm>>
    tpu.enqueue_dma source(%arg7 : memref<640x64xf32, #tpu.memory_space<vmem>>) target(%dma_start3A_212 : memref<640x64xf32, #tpu.memory_space<hbm>>) target_semaphore(%arg11 : memref<!tpu.dma_semaphore, #tpu.memory_space<semaphore_mem>>)
    %add3A_213 = arith.constant 0 : i32
    %add3A_214 = arith.addi %mul3A_2, %add3A_213 : i32
    %dma_wait3A_215 = arith.constant 0 : i32
    %dma_wait3A_216 = tpu.memref_slice %arg4[%add3A_214, %dma_wait3A_215] : memref<204800x64xf32, #tpu.memory_space<hbm>> -> memref<640x64xf32, #tpu.memory_space<hbm>>
    %dma_wait3A_217 = arith.constant 0 : i32
    %dma_wait3A_218 = tpu.memref_slice %arg4[%add3A_214, %dma_wait3A_217] : memref<204800x64xf32, #tpu.memory_space<hbm>> -> memref<640x64xf32, #tpu.memory_space<hbm>>
    tpu.wait_dma2 semaphore(%arg10 : memref<!tpu.dma_semaphore, #tpu.memory_space<semaphore_mem>>) src(%arg6 : memref<640x64xf32, #tpu.memory_space<vmem>>) dst(%dma_wait3A_218 : memref<640x64xf32, #tpu.memory_space<hbm>>)
    %dma_start3A_219 = arith.constant 10 : i32
    %dma_start3A_220 = arith.constant 0 : i32
    %dma_start3A_221 = arith.constant 0 : i32
    %dma_start3A_222 = tpu.memref_slice %arg6[%dma_start3A_220, %dma_start3A_221] : memref<640x64xf32, #tpu.memory_space<vmem>> -> memref<128x64xf32, #tpu.memory_space<vmem>>
    %dma_start3A_223 = arith.constant 0 : i32
    %dma_start3A_224 = tpu.memref_slice %arg5[%dma_start3A_219, %dma_start3A_223] : memref<50x128xi32, #tpu.memory_space<vmem>> -> memref<1x128xi32, #tpu.memory_space<vmem>>
    %dma_start3A_225 = tpu.memref_squeeze %dma_start3A_224 : memref<1x128xi32, #tpu.memory_space<vmem>> -> memref<128xi32, #tpu.memory_space<vmem>>
    %dma_start3A_226 = arith.constant 0 : i32
    %dma_start3A_227 = arith.constant 0 : i32
    %dma_start3A_228 = tpu.memref_slice %arg3[%dma_start3A_226, %dma_start3A_227] : memref<1000000x64xf32, #tpu.memory_space<hbm>> -> memref<1000000x64xf32, #tpu.memory_space<hbm>>
    tpu.enqueue_indirect_dma source(%dma_start3A_228 : memref<1000000x64xf32, #tpu.memory_space<hbm>>) target(%dma_start3A_222 : memref<128x64xf32, #tpu.memory_space<vmem>>) offsets(%dma_start3A_225 : memref<128xi32, #tpu.memory_space<vmem>>) semaphore(%arg8 : memref<!tpu.dma_semaphore, #tpu.memory_space<semaphore_mem>>)
    %dma_start3A_229 = arith.constant 11 : i32
    %dma_start3A_230 = arith.constant 128 : i32
    %dma_start3A_231 = arith.constant 0 : i32
    %dma_start3A_232 = tpu.memref_slice %arg6[%dma_start3A_230, %dma_start3A_231] : memref<640x64xf32, #tpu.memory_space<vmem>> -> memref<128x64xf32, #tpu.memory_space<vmem>>
    %dma_start3A_233 = arith.constant 0 : i32
    %dma_start3A_234 = tpu.memref_slice %arg5[%dma_start3A_229, %dma_start3A_233] : memref<50x128xi32, #tpu.memory_space<vmem>> -> memref<1x128xi32, #tpu.memory_space<vmem>>
    %dma_start3A_235 = tpu.memref_squeeze %dma_start3A_234 : memref<1x128xi32, #tpu.memory_space<vmem>> -> memref<128xi32, #tpu.memory_space<vmem>>
    %dma_start3A_236 = arith.constant 0 : i32
    %dma_start3A_237 = arith.constant 0 : i32
    %dma_start3A_238 = tpu.memref_slice %arg3[%dma_start3A_236, %dma_start3A_237] : memref<1000000x64xf32, #tpu.memory_space<hbm>> -> memref<1000000x64xf32, #tpu.memory_space<hbm>>
    tpu.enqueue_indirect_dma source(%dma_start3A_238 : memref<1000000x64xf32, #tpu.memory_space<hbm>>) target(%dma_start3A_232 : memref<128x64xf32, #tpu.memory_space<vmem>>) offsets(%dma_start3A_235 : memref<128xi32, #tpu.memory_space<vmem>>) semaphore(%arg8 : memref<!tpu.dma_semaphore, #tpu.memory_space<semaphore_mem>>)
    %dma_start3A_239 = arith.constant 12 : i32
    %dma_start3A_240 = arith.constant 256 : i32
    %dma_start3A_241 = arith.constant 0 : i32
    %dma_start3A_242 = tpu.memref_slice %arg6[%dma_start3A_240, %dma_start3A_241] : memref<640x64xf32, #tpu.memory_space<vmem>> -> memref<128x64xf32, #tpu.memory_space<vmem>>
    %dma_start3A_243 = arith.constant 0 : i32
    %dma_start3A_244 = tpu.memref_slice %arg5[%dma_start3A_239, %dma_start3A_243] : memref<50x128xi32, #tpu.memory_space<vmem>> -> memref<1x128xi32, #tpu.memory_space<vmem>>
    %dma_start3A_245 = tpu.memref_squeeze %dma_start3A_244 : memref<1x128xi32, #tpu.memory_space<vmem>> -> memref<128xi32, #tpu.memory_space<vmem>>
    %dma_start3A_246 = arith.constant 0 : i32
    %dma_start3A_247 = arith.constant 0 : i32
    %dma_start3A_248 = tpu.memref_slice %arg3[%dma_start3A_246, %dma_start3A_247] : memref<1000000x64xf32, #tpu.memory_space<hbm>> -> memref<1000000x64xf32, #tpu.memory_space<hbm>>
    tpu.enqueue_indirect_dma source(%dma_start3A_248 : memref<1000000x64xf32, #tpu.memory_space<hbm>>) target(%dma_start3A_242 : memref<128x64xf32, #tpu.memory_space<vmem>>) offsets(%dma_start3A_245 : memref<128xi32, #tpu.memory_space<vmem>>) semaphore(%arg8 : memref<!tpu.dma_semaphore, #tpu.memory_space<semaphore_mem>>)
    %dma_start3A_249 = arith.constant 13 : i32
    %dma_start3A_250 = arith.constant 384 : i32
    %dma_start3A_251 = arith.constant 0 : i32
    %dma_start3A_252 = tpu.memref_slice %arg6[%dma_start3A_250, %dma_start3A_251] : memref<640x64xf32, #tpu.memory_space<vmem>> -> memref<128x64xf32, #tpu.memory_space<vmem>>
    %dma_start3A_253 = arith.constant 0 : i32
    %dma_start3A_254 = tpu.memref_slice %arg5[%dma_start3A_249, %dma_start3A_253] : memref<50x128xi32, #tpu.memory_space<vmem>> -> memref<1x128xi32, #tpu.memory_space<vmem>>
    %dma_start3A_255 = tpu.memref_squeeze %dma_start3A_254 : memref<1x128xi32, #tpu.memory_space<vmem>> -> memref<128xi32, #tpu.memory_space<vmem>>
    %dma_start3A_256 = arith.constant 0 : i32
    %dma_start3A_257 = arith.constant 0 : i32
    %dma_start3A_258 = tpu.memref_slice %arg3[%dma_start3A_256, %dma_start3A_257] : memref<1000000x64xf32, #tpu.memory_space<hbm>> -> memref<1000000x64xf32, #tpu.memory_space<hbm>>
    tpu.enqueue_indirect_dma source(%dma_start3A_258 : memref<1000000x64xf32, #tpu.memory_space<hbm>>) target(%dma_start3A_252 : memref<128x64xf32, #tpu.memory_space<vmem>>) offsets(%dma_start3A_255 : memref<128xi32, #tpu.memory_space<vmem>>) semaphore(%arg8 : memref<!tpu.dma_semaphore, #tpu.memory_space<semaphore_mem>>)
    %dma_start3A_259 = arith.constant 14 : i32
    %dma_start3A_260 = arith.constant 512 : i32
    %dma_start3A_261 = arith.constant 0 : i32
    %dma_start3A_262 = tpu.memref_slice %arg6[%dma_start3A_260, %dma_start3A_261] : memref<640x64xf32, #tpu.memory_space<vmem>> -> memref<128x64xf32, #tpu.memory_space<vmem>>
    %dma_start3A_263 = arith.constant 0 : i32
    %dma_start3A_264 = tpu.memref_slice %arg5[%dma_start3A_259, %dma_start3A_263] : memref<50x128xi32, #tpu.memory_space<vmem>> -> memref<1x128xi32, #tpu.memory_space<vmem>>
    %dma_start3A_265 = tpu.memref_squeeze %dma_start3A_264 : memref<1x128xi32, #tpu.memory_space<vmem>> -> memref<128xi32, #tpu.memory_space<vmem>>
    %dma_start3A_266 = arith.constant 0 : i32
    %dma_start3A_267 = arith.constant 0 : i32
    %dma_start3A_268 = tpu.memref_slice %arg3[%dma_start3A_266, %dma_start3A_267] : memref<1000000x64xf32, #tpu.memory_space<hbm>> -> memref<1000000x64xf32, #tpu.memory_space<hbm>>
    tpu.enqueue_indirect_dma source(%dma_start3A_268 : memref<1000000x64xf32, #tpu.memory_space<hbm>>) target(%dma_start3A_262 : memref<128x64xf32, #tpu.memory_space<vmem>>) offsets(%dma_start3A_265 : memref<128xi32, #tpu.memory_space<vmem>>) semaphore(%arg8 : memref<!tpu.dma_semaphore, #tpu.memory_space<semaphore_mem>>)
    %scan3A = arith.constant 1 : i32
    %scan3A_269 = arith.constant 4 : i32
    %scan3A_270 = arith.addi %scan3A, %scan3A_269 : i32
    %scan3A_271 = arith.constant 1 : i32
    scf.for %scan3A_279 = %scan3A to %scan3A_270 step %scan3A_271  : i32 {
      %mul3A_280 = arith.constant 2 : i32
      %mul3A_281 = arith.muli %mul3A_280, %scan3A_279 : i32
      %mul3A_282 = arith.constant 5 : i32
      %mul3A_283 = arith.muli %mul3A_281, %mul3A_282 : i32
      %add3A_284 = arith.constant 0 : i32
      %add3A_285 = arith.addi %mul3A_283, %add3A_284 : i32
      %dma_wait3A_286 = arith.constant 0 : i32
      %dma_wait3A_287 = arith.constant 0 : i32
      %dma_wait3A_288 = tpu.memref_slice %arg6[%dma_wait3A_286, %dma_wait3A_287] : memref<640x64xf32, #tpu.memory_space<vmem>> -> memref<128x64xf32, #tpu.memory_space<vmem>>
      %dma_wait3A_289 = arith.constant 0 : i32
      %dma_wait3A_290 = tpu.memref_slice %arg5[%add3A_285, %dma_wait3A_289] : memref<50x128xi32, #tpu.memory_space<vmem>> -> memref<1x128xi32, #tpu.memory_space<vmem>>
      %dma_wait3A_291 = tpu.memref_squeeze %dma_wait3A_290 : memref<1x128xi32, #tpu.memory_space<vmem>> -> memref<128xi32, #tpu.memory_space<vmem>>
      %dma_wait3A_292 = arith.constant 0 : i32
      %dma_wait3A_293 = arith.constant 0 : i32
      %dma_wait3A_294 = tpu.memref_slice %arg3[%dma_wait3A_292, %dma_wait3A_293] : memref<1000000x64xf32, #tpu.memory_space<hbm>> -> memref<1000000x64xf32, #tpu.memory_space<hbm>>
      tpu.wait_indirect_dma semaphore(%arg8 : memref<!tpu.dma_semaphore, #tpu.memory_space<semaphore_mem>>) src(%dma_wait3A_294 : memref<1000000x64xf32, #tpu.memory_space<hbm>>) dst(%dma_wait3A_288 : memref<128x64xf32, #tpu.memory_space<vmem>>)
      %mul3A_295 = arith.constant 5 : i32
      %mul3A_296 = arith.muli %mul3A_281, %mul3A_295 : i32
      %add3A_297 = arith.constant 1 : i32
      %add3A_298 = arith.addi %mul3A_296, %add3A_297 : i32
      %dma_wait3A_299 = arith.constant 128 : i32
      %dma_wait3A_300 = arith.constant 0 : i32
      %dma_wait3A_301 = tpu.memref_slice %arg6[%dma_wait3A_299, %dma_wait3A_300] : memref<640x64xf32, #tpu.memory_space<vmem>> -> memref<128x64xf32, #tpu.memory_space<vmem>>
      %dma_wait3A_302 = arith.constant 0 : i32
      %dma_wait3A_303 = tpu.memref_slice %arg5[%add3A_298, %dma_wait3A_302] : memref<50x128xi32, #tpu.memory_space<vmem>> -> memref<1x128xi32, #tpu.memory_space<vmem>>
      %dma_wait3A_304 = tpu.memref_squeeze %dma_wait3A_303 : memref<1x128xi32, #tpu.memory_space<vmem>> -> memref<128xi32, #tpu.memory_space<vmem>>
      %dma_wait3A_305 = arith.constant 0 : i32
      %dma_wait3A_306 = arith.constant 0 : i32
      %dma_wait3A_307 = tpu.memref_slice %arg3[%dma_wait3A_305, %dma_wait3A_306] : memref<1000000x64xf32, #tpu.memory_space<hbm>> -> memref<1000000x64xf32, #tpu.memory_space<hbm>>
      tpu.wait_indirect_dma semaphore(%arg8 : memref<!tpu.dma_semaphore, #tpu.memory_space<semaphore_mem>>) src(%dma_wait3A_307 : memref<1000000x64xf32, #tpu.memory_space<hbm>>) dst(%dma_wait3A_301 : memref<128x64xf32, #tpu.memory_space<vmem>>)
      %mul3A_308 = arith.constant 5 : i32
      %mul3A_309 = arith.muli %mul3A_281, %mul3A_308 : i32
      %add3A_310 = arith.constant 2 : i32
      %add3A_311 = arith.addi %mul3A_309, %add3A_310 : i32
      %dma_wait3A_312 = arith.constant 256 : i32
      %dma_wait3A_313 = arith.constant 0 : i32
      %dma_wait3A_314 = tpu.memref_slice %arg6[%dma_wait3A_312, %dma_wait3A_313] : memref<640x64xf32, #tpu.memory_space<vmem>> -> memref<128x64xf32, #tpu.memory_space<vmem>>
      %dma_wait3A_315 = arith.constant 0 : i32
      %dma_wait3A_316 = tpu.memref_slice %arg5[%add3A_311, %dma_wait3A_315] : memref<50x128xi32, #tpu.memory_space<vmem>> -> memref<1x128xi32, #tpu.memory_space<vmem>>
      %dma_wait3A_317 = tpu.memref_squeeze %dma_wait3A_316 : memref<1x128xi32, #tpu.memory_space<vmem>> -> memref<128xi32, #tpu.memory_space<vmem>>
      %dma_wait3A_318 = arith.constant 0 : i32
      %dma_wait3A_319 = arith.constant 0 : i32
      %dma_wait3A_320 = tpu.memref_slice %arg3[%dma_wait3A_318, %dma_wait3A_319] : memref<1000000x64xf32, #tpu.memory_space<hbm>> -> memref<1000000x64xf32, #tpu.memory_space<hbm>>
      tpu.wait_indirect_dma semaphore(%arg8 : memref<!tpu.dma_semaphore, #tpu.memory_space<semaphore_mem>>) src(%dma_wait3A_320 : memref<1000000x64xf32, #tpu.memory_space<hbm>>) dst(%dma_wait3A_314 : memref<128x64xf32, #tpu.memory_space<vmem>>)
      %mul3A_321 = arith.constant 5 : i32
      %mul3A_322 = arith.muli %mul3A_281, %mul3A_321 : i32
      %add3A_323 = arith.constant 3 : i32
      %add3A_324 = arith.addi %mul3A_322, %add3A_323 : i32
      %dma_wait3A_325 = arith.constant 384 : i32
      %dma_wait3A_326 = arith.constant 0 : i32
      %dma_wait3A_327 = tpu.memref_slice %arg6[%dma_wait3A_325, %dma_wait3A_326] : memref<640x64xf32, #tpu.memory_space<vmem>> -> memref<128x64xf32, #tpu.memory_space<vmem>>
      %dma_wait3A_328 = arith.constant 0 : i32
      %dma_wait3A_329 = tpu.memref_slice %arg5[%add3A_324, %dma_wait3A_328] : memref<50x128xi32, #tpu.memory_space<vmem>> -> memref<1x128xi32, #tpu.memory_space<vmem>>
      %dma_wait3A_330 = tpu.memref_squeeze %dma_wait3A_329 : memref<1x128xi32, #tpu.memory_space<vmem>> -> memref<128xi32, #tpu.memory_space<vmem>>
      %dma_wait3A_331 = arith.constant 0 : i32
      %dma_wait3A_332 = arith.constant 0 : i32
      %dma_wait3A_333 = tpu.memref_slice %arg3[%dma_wait3A_331, %dma_wait3A_332] : memref<1000000x64xf32, #tpu.memory_space<hbm>> -> memref<1000000x64xf32, #tpu.memory_space<hbm>>
      tpu.wait_indirect_dma semaphore(%arg8 : memref<!tpu.dma_semaphore, #tpu.memory_space<semaphore_mem>>) src(%dma_wait3A_333 : memref<1000000x64xf32, #tpu.memory_space<hbm>>) dst(%dma_wait3A_327 : memref<128x64xf32, #tpu.memory_space<vmem>>)
      %mul3A_334 = arith.constant 5 : i32
      %mul3A_335 = arith.muli %mul3A_281, %mul3A_334 : i32
      %add3A_336 = arith.constant 4 : i32
      %add3A_337 = arith.addi %mul3A_335, %add3A_336 : i32
      %dma_wait3A_338 = arith.constant 512 : i32
      %dma_wait3A_339 = arith.constant 0 : i32
      %dma_wait3A_340 = tpu.memref_slice %arg6[%dma_wait3A_338, %dma_wait3A_339] : memref<640x64xf32, #tpu.memory_space<vmem>> -> memref<128x64xf32, #tpu.memory_space<vmem>>
      %dma_wait3A_341 = arith.constant 0 : i32
      %dma_wait3A_342 = tpu.memref_slice %arg5[%add3A_337, %dma_wait3A_341] : memref<50x128xi32, #tpu.memory_space<vmem>> -> memref<1x128xi32, #tpu.memory_space<vmem>>
      %dma_wait3A_343 = tpu.memref_squeeze %dma_wait3A_342 : memref<1x128xi32, #tpu.memory_space<vmem>> -> memref<128xi32, #tpu.memory_space<vmem>>
      %dma_wait3A_344 = arith.constant 0 : i32
      %dma_wait3A_345 = arith.constant 0 : i32
      %dma_wait3A_346 = tpu.memref_slice %arg3[%dma_wait3A_344, %dma_wait3A_345] : memref<1000000x64xf32, #tpu.memory_space<hbm>> -> memref<1000000x64xf32, #tpu.memory_space<hbm>>
      tpu.wait_indirect_dma semaphore(%arg8 : memref<!tpu.dma_semaphore, #tpu.memory_space<semaphore_mem>>) src(%dma_wait3A_346 : memref<1000000x64xf32, #tpu.memory_space<hbm>>) dst(%dma_wait3A_340 : memref<128x64xf32, #tpu.memory_space<vmem>>)
      %mul3A_347 = arith.constant 640 : i32
      %mul3A_348 = arith.muli %mul3A_281, %mul3A_347 : i32
      %add3A_349 = arith.addi %mul3A_2, %mul3A_348 : i32
      %dma_start3A_350 = arith.constant 0 : i32
      %dma_start3A_351 = tpu.memref_slice %arg4[%add3A_349, %dma_start3A_350] : memref<204800x64xf32, #tpu.memory_space<hbm>> -> memref<640x64xf32, #tpu.memory_space<hbm>>
      %dma_start3A_352 = arith.constant 0 : i32
      %dma_start3A_353 = tpu.memref_slice %arg4[%add3A_349, %dma_start3A_352] : memref<204800x64xf32, #tpu.memory_space<hbm>> -> memref<640x64xf32, #tpu.memory_space<hbm>>
      tpu.enqueue_dma source(%arg6 : memref<640x64xf32, #tpu.memory_space<vmem>>) target(%dma_start3A_353 : memref<640x64xf32, #tpu.memory_space<hbm>>) target_semaphore(%arg10 : memref<!tpu.dma_semaphore, #tpu.memory_space<semaphore_mem>>)
      %sub3A = arith.constant 1 : i32
      %sub3A_354 = arith.subi %mul3A_281, %sub3A : i32
      %mul3A_355 = arith.constant 640 : i32
      %mul3A_356 = arith.muli %sub3A_354, %mul3A_355 : i32
      %add3A_357 = arith.addi %mul3A_2, %mul3A_356 : i32
      %dma_wait3A_358 = arith.constant 0 : i32
      %dma_wait3A_359 = tpu.memref_slice %arg4[%add3A_357, %dma_wait3A_358] : memref<204800x64xf32, #tpu.memory_space<hbm>> -> memref<640x64xf32, #tpu.memory_space<hbm>>
      %dma_wait3A_360 = arith.constant 0 : i32
      %dma_wait3A_361 = tpu.memref_slice %arg4[%add3A_357, %dma_wait3A_360] : memref<204800x64xf32, #tpu.memory_space<hbm>> -> memref<640x64xf32, #tpu.memory_space<hbm>>
      tpu.wait_dma2 semaphore(%arg11 : memref<!tpu.dma_semaphore, #tpu.memory_space<semaphore_mem>>) src(%arg7 : memref<640x64xf32, #tpu.memory_space<vmem>>) dst(%dma_wait3A_361 : memref<640x64xf32, #tpu.memory_space<hbm>>)
      %add3A_362 = arith.constant 1 : i32
      %add3A_363 = arith.addi %mul3A_281, %add3A_362 : i32
      %mul3A_364 = arith.constant 5 : i32
      %mul3A_365 = arith.muli %add3A_363, %mul3A_364 : i32
      %add3A_366 = arith.constant 0 : i32
      %add3A_367 = arith.addi %mul3A_365, %add3A_366 : i32
      %dma_start3A_368 = arith.constant 0 : i32
      %dma_start3A_369 = arith.constant 0 : i32
      %dma_start3A_370 = tpu.memref_slice %arg7[%dma_start3A_368, %dma_start3A_369] : memref<640x64xf32, #tpu.memory_space<vmem>> -> memref<128x64xf32, #tpu.memory_space<vmem>>
      %dma_start3A_371 = arith.constant 0 : i32
      %dma_start3A_372 = tpu.memref_slice %arg5[%add3A_367, %dma_start3A_371] : memref<50x128xi32, #tpu.memory_space<vmem>> -> memref<1x128xi32, #tpu.memory_space<vmem>>
      %dma_start3A_373 = tpu.memref_squeeze %dma_start3A_372 : memref<1x128xi32, #tpu.memory_space<vmem>> -> memref<128xi32, #tpu.memory_space<vmem>>
      %dma_start3A_374 = arith.constant 0 : i32
      %dma_start3A_375 = arith.constant 0 : i32
      %dma_start3A_376 = tpu.memref_slice %arg3[%dma_start3A_374, %dma_start3A_375] : memref<1000000x64xf32, #tpu.memory_space<hbm>> -> memref<1000000x64xf32, #tpu.memory_space<hbm>>
      tpu.enqueue_indirect_dma source(%dma_start3A_376 : memref<1000000x64xf32, #tpu.memory_space<hbm>>) target(%dma_start3A_370 : memref<128x64xf32, #tpu.memory_space<vmem>>) offsets(%dma_start3A_373 : memref<128xi32, #tpu.memory_space<vmem>>) semaphore(%arg9 : memref<!tpu.dma_semaphore, #tpu.memory_space<semaphore_mem>>)
      %mul3A_377 = arith.constant 5 : i32
      %mul3A_378 = arith.muli %add3A_363, %mul3A_377 : i32
      %add3A_379 = arith.constant 1 : i32
      %add3A_380 = arith.addi %mul3A_378, %add3A_379 : i32
      %dma_start3A_381 = arith.constant 128 : i32
      %dma_start3A_382 = arith.constant 0 : i32
      %dma_start3A_383 = tpu.memref_slice %arg7[%dma_start3A_381, %dma_start3A_382] : memref<640x64xf32, #tpu.memory_space<vmem>> -> memref<128x64xf32, #tpu.memory_space<vmem>>
      %dma_start3A_384 = arith.constant 0 : i32
      %dma_start3A_385 = tpu.memref_slice %arg5[%add3A_380, %dma_start3A_384] : memref<50x128xi32, #tpu.memory_space<vmem>> -> memref<1x128xi32, #tpu.memory_space<vmem>>
      %dma_start3A_386 = tpu.memref_squeeze %dma_start3A_385 : memref<1x128xi32, #tpu.memory_space<vmem>> -> memref<128xi32, #tpu.memory_space<vmem>>
      %dma_start3A_387 = arith.constant 0 : i32
      %dma_start3A_388 = arith.constant 0 : i32
      %dma_start3A_389 = tpu.memref_slice %arg3[%dma_start3A_387, %dma_start3A_388] : memref<1000000x64xf32, #tpu.memory_space<hbm>> -> memref<1000000x64xf32, #tpu.memory_space<hbm>>
      tpu.enqueue_indirect_dma source(%dma_start3A_389 : memref<1000000x64xf32, #tpu.memory_space<hbm>>) target(%dma_start3A_383 : memref<128x64xf32, #tpu.memory_space<vmem>>) offsets(%dma_start3A_386 : memref<128xi32, #tpu.memory_space<vmem>>) semaphore(%arg9 : memref<!tpu.dma_semaphore, #tpu.memory_space<semaphore_mem>>)
      %mul3A_390 = arith.constant 5 : i32
      %mul3A_391 = arith.muli %add3A_363, %mul3A_390 : i32
      %add3A_392 = arith.constant 2 : i32
      %add3A_393 = arith.addi %mul3A_391, %add3A_392 : i32
      %dma_start3A_394 = arith.constant 256 : i32
      %dma_start3A_395 = arith.constant 0 : i32
      %dma_start3A_396 = tpu.memref_slice %arg7[%dma_start3A_394, %dma_start3A_395] : memref<640x64xf32, #tpu.memory_space<vmem>> -> memref<128x64xf32, #tpu.memory_space<vmem>>
      %dma_start3A_397 = arith.constant 0 : i32
      %dma_start3A_398 = tpu.memref_slice %arg5[%add3A_393, %dma_start3A_397] : memref<50x128xi32, #tpu.memory_space<vmem>> -> memref<1x128xi32, #tpu.memory_space<vmem>>
      %dma_start3A_399 = tpu.memref_squeeze %dma_start3A_398 : memref<1x128xi32, #tpu.memory_space<vmem>> -> memref<128xi32, #tpu.memory_space<vmem>>
      %dma_start3A_400 = arith.constant 0 : i32
      %dma_start3A_401 = arith.constant 0 : i32
      %dma_start3A_402 = tpu.memref_slice %arg3[%dma_start3A_400, %dma_start3A_401] : memref<1000000x64xf32, #tpu.memory_space<hbm>> -> memref<1000000x64xf32, #tpu.memory_space<hbm>>
      tpu.enqueue_indirect_dma source(%dma_start3A_402 : memref<1000000x64xf32, #tpu.memory_space<hbm>>) target(%dma_start3A_396 : memref<128x64xf32, #tpu.memory_space<vmem>>) offsets(%dma_start3A_399 : memref<128xi32, #tpu.memory_space<vmem>>) semaphore(%arg9 : memref<!tpu.dma_semaphore, #tpu.memory_space<semaphore_mem>>)
      %mul3A_403 = arith.constant 5 : i32
      %mul3A_404 = arith.muli %add3A_363, %mul3A_403 : i32
      %add3A_405 = arith.constant 3 : i32
      %add3A_406 = arith.addi %mul3A_404, %add3A_405 : i32
      %dma_start3A_407 = arith.constant 384 : i32
      %dma_start3A_408 = arith.constant 0 : i32
      %dma_start3A_409 = tpu.memref_slice %arg7[%dma_start3A_407, %dma_start3A_408] : memref<640x64xf32, #tpu.memory_space<vmem>> -> memref<128x64xf32, #tpu.memory_space<vmem>>
      %dma_start3A_410 = arith.constant 0 : i32
      %dma_start3A_411 = tpu.memref_slice %arg5[%add3A_406, %dma_start3A_410] : memref<50x128xi32, #tpu.memory_space<vmem>> -> memref<1x128xi32, #tpu.memory_space<vmem>>
      %dma_start3A_412 = tpu.memref_squeeze %dma_start3A_411 : memref<1x128xi32, #tpu.memory_space<vmem>> -> memref<128xi32, #tpu.memory_space<vmem>>
      %dma_start3A_413 = arith.constant 0 : i32
      %dma_start3A_414 = arith.constant 0 : i32
      %dma_start3A_415 = tpu.memref_slice %arg3[%dma_start3A_413, %dma_start3A_414] : memref<1000000x64xf32, #tpu.memory_space<hbm>> -> memref<1000000x64xf32, #tpu.memory_space<hbm>>
      tpu.enqueue_indirect_dma source(%dma_start3A_415 : memref<1000000x64xf32, #tpu.memory_space<hbm>>) target(%dma_start3A_409 : memref<128x64xf32, #tpu.memory_space<vmem>>) offsets(%dma_start3A_412 : memref<128xi32, #tpu.memory_space<vmem>>) semaphore(%arg9 : memref<!tpu.dma_semaphore, #tpu.memory_space<semaphore_mem>>)
      %mul3A_416 = arith.constant 5 : i32
      %mul3A_417 = arith.muli %add3A_363, %mul3A_416 : i32
      %add3A_418 = arith.constant 4 : i32
      %add3A_419 = arith.addi %mul3A_417, %add3A_418 : i32
      %dma_start3A_420 = arith.constant 512 : i32
      %dma_start3A_421 = arith.constant 0 : i32
      %dma_start3A_422 = tpu.memref_slice %arg7[%dma_start3A_420, %dma_start3A_421] : memref<640x64xf32, #tpu.memory_space<vmem>> -> memref<128x64xf32, #tpu.memory_space<vmem>>
      %dma_start3A_423 = arith.constant 0 : i32
      %dma_start3A_424 = tpu.memref_slice %arg5[%add3A_419, %dma_start3A_423] : memref<50x128xi32, #tpu.memory_space<vmem>> -> memref<1x128xi32, #tpu.memory_space<vmem>>
      %dma_start3A_425 = tpu.memref_squeeze %dma_start3A_424 : memref<1x128xi32, #tpu.memory_space<vmem>> -> memref<128xi32, #tpu.memory_space<vmem>>
      %dma_start3A_426 = arith.constant 0 : i32
      %dma_start3A_427 = arith.constant 0 : i32
      %dma_start3A_428 = tpu.memref_slice %arg3[%dma_start3A_426, %dma_start3A_427] : memref<1000000x64xf32, #tpu.memory_space<hbm>> -> memref<1000000x64xf32, #tpu.memory_space<hbm>>
      tpu.enqueue_indirect_dma source(%dma_start3A_428 : memref<1000000x64xf32, #tpu.memory_space<hbm>>) target(%dma_start3A_422 : memref<128x64xf32, #tpu.memory_space<vmem>>) offsets(%dma_start3A_425 : memref<128xi32, #tpu.memory_space<vmem>>) semaphore(%arg9 : memref<!tpu.dma_semaphore, #tpu.memory_space<semaphore_mem>>)
      %add3A_429 = arith.constant 1 : i32
      %add3A_430 = arith.addi %mul3A_281, %add3A_429 : i32
      %mul3A_431 = arith.constant 5 : i32
      %mul3A_432 = arith.muli %add3A_430, %mul3A_431 : i32
      %add3A_433 = arith.constant 0 : i32
      %add3A_434 = arith.addi %mul3A_432, %add3A_433 : i32
      %dma_wait3A_435 = arith.constant 0 : i32
      %dma_wait3A_436 = arith.constant 0 : i32
      %dma_wait3A_437 = tpu.memref_slice %arg7[%dma_wait3A_435, %dma_wait3A_436] : memref<640x64xf32, #tpu.memory_space<vmem>> -> memref<128x64xf32, #tpu.memory_space<vmem>>
      %dma_wait3A_438 = arith.constant 0 : i32
      %dma_wait3A_439 = tpu.memref_slice %arg5[%add3A_434, %dma_wait3A_438] : memref<50x128xi32, #tpu.memory_space<vmem>> -> memref<1x128xi32, #tpu.memory_space<vmem>>
      %dma_wait3A_440 = tpu.memref_squeeze %dma_wait3A_439 : memref<1x128xi32, #tpu.memory_space<vmem>> -> memref<128xi32, #tpu.memory_space<vmem>>
      %dma_wait3A_441 = arith.constant 0 : i32
      %dma_wait3A_442 = arith.constant 0 : i32
      %dma_wait3A_443 = tpu.memref_slice %arg3[%dma_wait3A_441, %dma_wait3A_442] : memref<1000000x64xf32, #tpu.memory_space<hbm>> -> memref<1000000x64xf32, #tpu.memory_space<hbm>>
      tpu.wait_indirect_dma semaphore(%arg9 : memref<!tpu.dma_semaphore, #tpu.memory_space<semaphore_mem>>) src(%dma_wait3A_443 : memref<1000000x64xf32, #tpu.memory_space<hbm>>) dst(%dma_wait3A_437 : memref<128x64xf32, #tpu.memory_space<vmem>>)
      %mul3A_444 = arith.constant 5 : i32
      %mul3A_445 = arith.muli %add3A_430, %mul3A_444 : i32
      %add3A_446 = arith.constant 1 : i32
      %add3A_447 = arith.addi %mul3A_445, %add3A_446 : i32
      %dma_wait3A_448 = arith.constant 128 : i32
      %dma_wait3A_449 = arith.constant 0 : i32
      %dma_wait3A_450 = tpu.memref_slice %arg7[%dma_wait3A_448, %dma_wait3A_449] : memref<640x64xf32, #tpu.memory_space<vmem>> -> memref<128x64xf32, #tpu.memory_space<vmem>>
      %dma_wait3A_451 = arith.constant 0 : i32
      %dma_wait3A_452 = tpu.memref_slice %arg5[%add3A_447, %dma_wait3A_451] : memref<50x128xi32, #tpu.memory_space<vmem>> -> memref<1x128xi32, #tpu.memory_space<vmem>>
      %dma_wait3A_453 = tpu.memref_squeeze %dma_wait3A_452 : memref<1x128xi32, #tpu.memory_space<vmem>> -> memref<128xi32, #tpu.memory_space<vmem>>
      %dma_wait3A_454 = arith.constant 0 : i32
      %dma_wait3A_455 = arith.constant 0 : i32
      %dma_wait3A_456 = tpu.memref_slice %arg3[%dma_wait3A_454, %dma_wait3A_455] : memref<1000000x64xf32, #tpu.memory_space<hbm>> -> memref<1000000x64xf32, #tpu.memory_space<hbm>>
      tpu.wait_indirect_dma semaphore(%arg9 : memref<!tpu.dma_semaphore, #tpu.memory_space<semaphore_mem>>) src(%dma_wait3A_456 : memref<1000000x64xf32, #tpu.memory_space<hbm>>) dst(%dma_wait3A_450 : memref<128x64xf32, #tpu.memory_space<vmem>>)
      %mul3A_457 = arith.constant 5 : i32
      %mul3A_458 = arith.muli %add3A_430, %mul3A_457 : i32
      %add3A_459 = arith.constant 2 : i32
      %add3A_460 = arith.addi %mul3A_458, %add3A_459 : i32
      %dma_wait3A_461 = arith.constant 256 : i32
      %dma_wait3A_462 = arith.constant 0 : i32
      %dma_wait3A_463 = tpu.memref_slice %arg7[%dma_wait3A_461, %dma_wait3A_462] : memref<640x64xf32, #tpu.memory_space<vmem>> -> memref<128x64xf32, #tpu.memory_space<vmem>>
      %dma_wait3A_464 = arith.constant 0 : i32
      %dma_wait3A_465 = tpu.memref_slice %arg5[%add3A_460, %dma_wait3A_464] : memref<50x128xi32, #tpu.memory_space<vmem>> -> memref<1x128xi32, #tpu.memory_space<vmem>>
      %dma_wait3A_466 = tpu.memref_squeeze %dma_wait3A_465 : memref<1x128xi32, #tpu.memory_space<vmem>> -> memref<128xi32, #tpu.memory_space<vmem>>
      %dma_wait3A_467 = arith.constant 0 : i32
      %dma_wait3A_468 = arith.constant 0 : i32
      %dma_wait3A_469 = tpu.memref_slice %arg3[%dma_wait3A_467, %dma_wait3A_468] : memref<1000000x64xf32, #tpu.memory_space<hbm>> -> memref<1000000x64xf32, #tpu.memory_space<hbm>>
      tpu.wait_indirect_dma semaphore(%arg9 : memref<!tpu.dma_semaphore, #tpu.memory_space<semaphore_mem>>) src(%dma_wait3A_469 : memref<1000000x64xf32, #tpu.memory_space<hbm>>) dst(%dma_wait3A_463 : memref<128x64xf32, #tpu.memory_space<vmem>>)
      %mul3A_470 = arith.constant 5 : i32
      %mul3A_471 = arith.muli %add3A_430, %mul3A_470 : i32
      %add3A_472 = arith.constant 3 : i32
      %add3A_473 = arith.addi %mul3A_471, %add3A_472 : i32
      %dma_wait3A_474 = arith.constant 384 : i32
      %dma_wait3A_475 = arith.constant 0 : i32
      %dma_wait3A_476 = tpu.memref_slice %arg7[%dma_wait3A_474, %dma_wait3A_475] : memref<640x64xf32, #tpu.memory_space<vmem>> -> memref<128x64xf32, #tpu.memory_space<vmem>>
      %dma_wait3A_477 = arith.constant 0 : i32
      %dma_wait3A_478 = tpu.memref_slice %arg5[%add3A_473, %dma_wait3A_477] : memref<50x128xi32, #tpu.memory_space<vmem>> -> memref<1x128xi32, #tpu.memory_space<vmem>>
      %dma_wait3A_479 = tpu.memref_squeeze %dma_wait3A_478 : memref<1x128xi32, #tpu.memory_space<vmem>> -> memref<128xi32, #tpu.memory_space<vmem>>
      %dma_wait3A_480 = arith.constant 0 : i32
      %dma_wait3A_481 = arith.constant 0 : i32
      %dma_wait3A_482 = tpu.memref_slice %arg3[%dma_wait3A_480, %dma_wait3A_481] : memref<1000000x64xf32, #tpu.memory_space<hbm>> -> memref<1000000x64xf32, #tpu.memory_space<hbm>>
      tpu.wait_indirect_dma semaphore(%arg9 : memref<!tpu.dma_semaphore, #tpu.memory_space<semaphore_mem>>) src(%dma_wait3A_482 : memref<1000000x64xf32, #tpu.memory_space<hbm>>) dst(%dma_wait3A_476 : memref<128x64xf32, #tpu.memory_space<vmem>>)
      %mul3A_483 = arith.constant 5 : i32
      %mul3A_484 = arith.muli %add3A_430, %mul3A_483 : i32
      %add3A_485 = arith.constant 4 : i32
      %add3A_486 = arith.addi %mul3A_484, %add3A_485 : i32
      %dma_wait3A_487 = arith.constant 512 : i32
      %dma_wait3A_488 = arith.constant 0 : i32
      %dma_wait3A_489 = tpu.memref_slice %arg7[%dma_wait3A_487, %dma_wait3A_488] : memref<640x64xf32, #tpu.memory_space<vmem>> -> memref<128x64xf32, #tpu.memory_space<vmem>>
      %dma_wait3A_490 = arith.constant 0 : i32
      %dma_wait3A_491 = tpu.memref_slice %arg5[%add3A_486, %dma_wait3A_490] : memref<50x128xi32, #tpu.memory_space<vmem>> -> memref<1x128xi32, #tpu.memory_space<vmem>>
      %dma_wait3A_492 = tpu.memref_squeeze %dma_wait3A_491 : memref<1x128xi32, #tpu.memory_space<vmem>> -> memref<128xi32, #tpu.memory_space<vmem>>
      %dma_wait3A_493 = arith.constant 0 : i32
      %dma_wait3A_494 = arith.constant 0 : i32
      %dma_wait3A_495 = tpu.memref_slice %arg3[%dma_wait3A_493, %dma_wait3A_494] : memref<1000000x64xf32, #tpu.memory_space<hbm>> -> memref<1000000x64xf32, #tpu.memory_space<hbm>>
      tpu.wait_indirect_dma semaphore(%arg9 : memref<!tpu.dma_semaphore, #tpu.memory_space<semaphore_mem>>) src(%dma_wait3A_495 : memref<1000000x64xf32, #tpu.memory_space<hbm>>) dst(%dma_wait3A_489 : memref<128x64xf32, #tpu.memory_space<vmem>>)
      %add3A_496 = arith.constant 1 : i32
      %add3A_497 = arith.addi %mul3A_281, %add3A_496 : i32
      %mul3A_498 = arith.constant 640 : i32
      %mul3A_499 = arith.muli %add3A_497, %mul3A_498 : i32
      %add3A_500 = arith.addi %mul3A_2, %mul3A_499 : i32
      %dma_start3A_501 = arith.constant 0 : i32
      %dma_start3A_502 = tpu.memref_slice %arg4[%add3A_500, %dma_start3A_501] : memref<204800x64xf32, #tpu.memory_space<hbm>> -> memref<640x64xf32, #tpu.memory_space<hbm>>
      %dma_start3A_503 = arith.constant 0 : i32
      %dma_start3A_504 = tpu.memref_slice %arg4[%add3A_500, %dma_start3A_503] : memref<204800x64xf32, #tpu.memory_space<hbm>> -> memref<640x64xf32, #tpu.memory_space<hbm>>
      tpu.enqueue_dma source(%arg7 : memref<640x64xf32, #tpu.memory_space<vmem>>) target(%dma_start3A_504 : memref<640x64xf32, #tpu.memory_space<hbm>>) target_semaphore(%arg11 : memref<!tpu.dma_semaphore, #tpu.memory_space<semaphore_mem>>)
      %mul3A_505 = arith.constant 640 : i32
      %mul3A_506 = arith.muli %mul3A_281, %mul3A_505 : i32
      %add3A_507 = arith.addi %mul3A_2, %mul3A_506 : i32
      %dma_wait3A_508 = arith.constant 0 : i32
      %dma_wait3A_509 = tpu.memref_slice %arg4[%add3A_507, %dma_wait3A_508] : memref<204800x64xf32, #tpu.memory_space<hbm>> -> memref<640x64xf32, #tpu.memory_space<hbm>>
      %dma_wait3A_510 = arith.constant 0 : i32
      %dma_wait3A_511 = tpu.memref_slice %arg4[%add3A_507, %dma_wait3A_510] : memref<204800x64xf32, #tpu.memory_space<hbm>> -> memref<640x64xf32, #tpu.memory_space<hbm>>
      tpu.wait_dma2 semaphore(%arg10 : memref<!tpu.dma_semaphore, #tpu.memory_space<semaphore_mem>>) src(%arg6 : memref<640x64xf32, #tpu.memory_space<vmem>>) dst(%dma_wait3A_511 : memref<640x64xf32, #tpu.memory_space<hbm>>)
      %lt3A = arith.constant 4 : i32
      %lt3A_512 = arith.cmpi slt, %scan3A_279, %lt3A : i32
      %convert_element_type3A = arith.extui %lt3A_512 : i1 to i32
      %cond3A = arith.constant 0 : i32
      %cond3A_513 = arith.cmpi ne, %convert_element_type3A, %cond3A : i32
      scf.if %cond3A_513 {
        %add3A_514 = arith.constant 2 : i32
        %add3A_515 = arith.addi %mul3A_281, %add3A_514 : i32
        %mul3A_516 = arith.constant 5 : i32
        %mul3A_517 = arith.muli %add3A_515, %mul3A_516 : i32
        %add3A_518 = arith.constant 0 : i32
        %add3A_519 = arith.addi %mul3A_517, %add3A_518 : i32
        %dma_start3A_520 = arith.constant 0 : i32
        %dma_start3A_521 = arith.constant 0 : i32
        %dma_start3A_522 = tpu.memref_slice %arg6[%dma_start3A_520, %dma_start3A_521] : memref<640x64xf32, #tpu.memory_space<vmem>> -> memref<128x64xf32, #tpu.memory_space<vmem>>
        %dma_start3A_523 = arith.constant 0 : i32
        %dma_start3A_524 = tpu.memref_slice %arg5[%add3A_519, %dma_start3A_523] : memref<50x128xi32, #tpu.memory_space<vmem>> -> memref<1x128xi32, #tpu.memory_space<vmem>>
        %dma_start3A_525 = tpu.memref_squeeze %dma_start3A_524 : memref<1x128xi32, #tpu.memory_space<vmem>> -> memref<128xi32, #tpu.memory_space<vmem>>
        %dma_start3A_526 = arith.constant 0 : i32
        %dma_start3A_527 = arith.constant 0 : i32
        %dma_start3A_528 = tpu.memref_slice %arg3[%dma_start3A_526, %dma_start3A_527] : memref<1000000x64xf32, #tpu.memory_space<hbm>> -> memref<1000000x64xf32, #tpu.memory_space<hbm>>
        tpu.enqueue_indirect_dma source(%dma_start3A_528 : memref<1000000x64xf32, #tpu.memory_space<hbm>>) target(%dma_start3A_522 : memref<128x64xf32, #tpu.memory_space<vmem>>) offsets(%dma_start3A_525 : memref<128xi32, #tpu.memory_space<vmem>>) semaphore(%arg8 : memref<!tpu.dma_semaphore, #tpu.memory_space<semaphore_mem>>)
        %mul3A_529 = arith.constant 5 : i32
        %mul3A_530 = arith.muli %add3A_515, %mul3A_529 : i32
        %add3A_531 = arith.constant 1 : i32
        %add3A_532 = arith.addi %mul3A_530, %add3A_531 : i32
        %dma_start3A_533 = arith.constant 128 : i32
        %dma_start3A_534 = arith.constant 0 : i32
        %dma_start3A_535 = tpu.memref_slice %arg6[%dma_start3A_533, %dma_start3A_534] : memref<640x64xf32, #tpu.memory_space<vmem>> -> memref<128x64xf32, #tpu.memory_space<vmem>>
        %dma_start3A_536 = arith.constant 0 : i32
        %dma_start3A_537 = tpu.memref_slice %arg5[%add3A_532, %dma_start3A_536] : memref<50x128xi32, #tpu.memory_space<vmem>> -> memref<1x128xi32, #tpu.memory_space<vmem>>
        %dma_start3A_538 = tpu.memref_squeeze %dma_start3A_537 : memref<1x128xi32, #tpu.memory_space<vmem>> -> memref<128xi32, #tpu.memory_space<vmem>>
        %dma_start3A_539 = arith.constant 0 : i32
        %dma_start3A_540 = arith.constant 0 : i32
        %dma_start3A_541 = tpu.memref_slice %arg3[%dma_start3A_539, %dma_start3A_540] : memref<1000000x64xf32, #tpu.memory_space<hbm>> -> memref<1000000x64xf32, #tpu.memory_space<hbm>>
        tpu.enqueue_indirect_dma source(%dma_start3A_541 : memref<1000000x64xf32, #tpu.memory_space<hbm>>) target(%dma_start3A_535 : memref<128x64xf32, #tpu.memory_space<vmem>>) offsets(%dma_start3A_538 : memref<128xi32, #tpu.memory_space<vmem>>) semaphore(%arg8 : memref<!tpu.dma_semaphore, #tpu.memory_space<semaphore_mem>>)
        %mul3A_542 = arith.constant 5 : i32
        %mul3A_543 = arith.muli %add3A_515, %mul3A_542 : i32
        %add3A_544 = arith.constant 2 : i32
        %add3A_545 = arith.addi %mul3A_543, %add3A_544 : i32
        %dma_start3A_546 = arith.constant 256 : i32
        %dma_start3A_547 = arith.constant 0 : i32
        %dma_start3A_548 = tpu.memref_slice %arg6[%dma_start3A_546, %dma_start3A_547] : memref<640x64xf32, #tpu.memory_space<vmem>> -> memref<128x64xf32, #tpu.memory_space<vmem>>
        %dma_start3A_549 = arith.constant 0 : i32
        %dma_start3A_550 = tpu.memref_slice %arg5[%add3A_545, %dma_start3A_549] : memref<50x128xi32, #tpu.memory_space<vmem>> -> memref<1x128xi32, #tpu.memory_space<vmem>>
        %dma_start3A_551 = tpu.memref_squeeze %dma_start3A_550 : memref<1x128xi32, #tpu.memory_space<vmem>> -> memref<128xi32, #tpu.memory_space<vmem>>
        %dma_start3A_552 = arith.constant 0 : i32
        %dma_start3A_553 = arith.constant 0 : i32
        %dma_start3A_554 = tpu.memref_slice %arg3[%dma_start3A_552, %dma_start3A_553] : memref<1000000x64xf32, #tpu.memory_space<hbm>> -> memref<1000000x64xf32, #tpu.memory_space<hbm>>
        tpu.enqueue_indirect_dma source(%dma_start3A_554 : memref<1000000x64xf32, #tpu.memory_space<hbm>>) target(%dma_start3A_548 : memref<128x64xf32, #tpu.memory_space<vmem>>) offsets(%dma_start3A_551 : memref<128xi32, #tpu.memory_space<vmem>>) semaphore(%arg8 : memref<!tpu.dma_semaphore, #tpu.memory_space<semaphore_mem>>)
        %mul3A_555 = arith.constant 5 : i32
        %mul3A_556 = arith.muli %add3A_515, %mul3A_555 : i32
        %add3A_557 = arith.constant 3 : i32
        %add3A_558 = arith.addi %mul3A_556, %add3A_557 : i32
        %dma_start3A_559 = arith.constant 384 : i32
        %dma_start3A_560 = arith.constant 0 : i32
        %dma_start3A_561 = tpu.memref_slice %arg6[%dma_start3A_559, %dma_start3A_560] : memref<640x64xf32, #tpu.memory_space<vmem>> -> memref<128x64xf32, #tpu.memory_space<vmem>>
        %dma_start3A_562 = arith.constant 0 : i32
        %dma_start3A_563 = tpu.memref_slice %arg5[%add3A_558, %dma_start3A_562] : memref<50x128xi32, #tpu.memory_space<vmem>> -> memref<1x128xi32, #tpu.memory_space<vmem>>
        %dma_start3A_564 = tpu.memref_squeeze %dma_start3A_563 : memref<1x128xi32, #tpu.memory_space<vmem>> -> memref<128xi32, #tpu.memory_space<vmem>>
        %dma_start3A_565 = arith.constant 0 : i32
        %dma_start3A_566 = arith.constant 0 : i32
        %dma_start3A_567 = tpu.memref_slice %arg3[%dma_start3A_565, %dma_start3A_566] : memref<1000000x64xf32, #tpu.memory_space<hbm>> -> memref<1000000x64xf32, #tpu.memory_space<hbm>>
        tpu.enqueue_indirect_dma source(%dma_start3A_567 : memref<1000000x64xf32, #tpu.memory_space<hbm>>) target(%dma_start3A_561 : memref<128x64xf32, #tpu.memory_space<vmem>>) offsets(%dma_start3A_564 : memref<128xi32, #tpu.memory_space<vmem>>) semaphore(%arg8 : memref<!tpu.dma_semaphore, #tpu.memory_space<semaphore_mem>>)
        %mul3A_568 = arith.constant 5 : i32
        %mul3A_569 = arith.muli %add3A_515, %mul3A_568 : i32
        %add3A_570 = arith.constant 4 : i32
        %add3A_571 = arith.addi %mul3A_569, %add3A_570 : i32
        %dma_start3A_572 = arith.constant 512 : i32
        %dma_start3A_573 = arith.constant 0 : i32
        %dma_start3A_574 = tpu.memref_slice %arg6[%dma_start3A_572, %dma_start3A_573] : memref<640x64xf32, #tpu.memory_space<vmem>> -> memref<128x64xf32, #tpu.memory_space<vmem>>
        %dma_start3A_575 = arith.constant 0 : i32
        %dma_start3A_576 = tpu.memref_slice %arg5[%add3A_571, %dma_start3A_575] : memref<50x128xi32, #tpu.memory_space<vmem>> -> memref<1x128xi32, #tpu.memory_space<vmem>>
        %dma_start3A_577 = tpu.memref_squeeze %dma_start3A_576 : memref<1x128xi32, #tpu.memory_space<vmem>> -> memref<128xi32, #tpu.memory_space<vmem>>
        %dma_start3A_578 = arith.constant 0 : i32
        %dma_start3A_579 = arith.constant 0 : i32
        %dma_start3A_580 = tpu.memref_slice %arg3[%dma_start3A_578, %dma_start3A_579] : memref<1000000x64xf32, #tpu.memory_space<hbm>> -> memref<1000000x64xf32, #tpu.memory_space<hbm>>
        tpu.enqueue_indirect_dma source(%dma_start3A_580 : memref<1000000x64xf32, #tpu.memory_space<hbm>>) target(%dma_start3A_574 : memref<128x64xf32, #tpu.memory_space<vmem>>) offsets(%dma_start3A_577 : memref<128xi32, #tpu.memory_space<vmem>>) semaphore(%arg8 : memref<!tpu.dma_semaphore, #tpu.memory_space<semaphore_mem>>)
      } else {
      }
    }
    %scan3A_272 = arith.constant 4 : i32
    %add3A_273 = arith.constant 5760 : i32
    %add3A_274 = arith.addi %mul3A_2, %add3A_273 : i32
    %dma_wait3A_275 = arith.constant 0 : i32
    %dma_wait3A_276 = tpu.memref_slice %arg4[%add3A_274, %dma_wait3A_275] : memref<204800x64xf32, #tpu.memory_space<hbm>> -> memref<640x64xf32, #tpu.memory_space<hbm>>
    %dma_wait3A_277 = arith.constant 0 : i32
    %dma_wait3A_278 = tpu.memref_slice %arg4[%add3A_274, %dma_wait3A_277] : memref<204800x64xf32, #tpu.memory_space<hbm>> -> memref<640x64xf32, #tpu.memory_space<hbm>>
    tpu.wait_dma2 semaphore(%arg11 : memref<!tpu.dma_semaphore, #tpu.memory_space<semaphore_mem>>) src(%arg7 : memref<640x64xf32, #tpu.memory_space<vmem>>) dst(%dma_wait3A_278 : memref<640x64xf32, #tpu.memory_space<hbm>>)
    return
  }
}

</mosaic_0001>

<sc_bundles>
// kernel: _embed.3.cloned.1.call-start
scs
__scs_entry_jumppad:
0x0: {  	(pc) =	sbr.rel $0x88, $3  }
0x1: {  	(tag) =	ssettag $0x0;
	lr =	simm.s32 $0x1  }
0x2: {  	[smem:$0x3F9F] =	sst lr;
	_ =	strace $0xD0000000  }
0x3: {  	_ = 	snop  }
0x4: {  	_ = 	snop  }
0x5: {  	_ = 	snop  }
0x6: {  	_ = 	snop  }
0x7: {  	_ = 	snop  }
__scs_overlays_trampoline_lowered:
0x8: {  	[smem:$0x3FAE] =	sst s0  }
0x9: {  	[smem:$0x3FAF] =	sst s1  }
0xa: {  	[smem:$0x3FB0] =	sst s2  }
0xb: {  	[smem:$0x3FB1] =	sst s3  }
0xc: {  	[smem:$0x3FB2] =	sst s4  }
0xd: {  	[smem:$0x3FB3] =	sst s5  }
0xe: {  	[smem:$0x3FB4] =	sst s6  }
0xf: {  	[smem:$0x3FB5] =	sst s7  }
0x10: {  	[smem:$0x3FB6] =	sst s8  }
0x11: {  	[smem:$0x3FB7] =	sst s9;
	s0 =	simm.s32 @!p0 $0x0  }
0x12: {  	s1 =	sld [smem:$0x3F9D];
	s0 =	simm.s32 @p0 $0x1  }
0x13: {  	[smem:$0x3FB8] =	sst s0;
	s0 =	simm.s32 @!p1 $0x0  }
0x14: {  	s2 =	sld [smem:$0x3F9C];
	s0 =	simm.s32 @p1 $0x1  }
0x15: {  	[smem:$0x3FB9] =	sst s0;
	s0 =	simm.s32 @!p2 $0x0  }
0x16: {  	s3 =	sld [smem:$0x3FDB];
	s0 =	simm.s32 @p2 $0x1  }
0x17: {  	s4 =	simm.s32 $0x1BF5;
	[smem:$0x3FBB] =	sst s0  }
0x18: {  	s0 =	sld [smem:$0x3F9E];
	_ =	swait.ge [sflag:s4], $0x0  }
0x19: {  	s7 =	sld [smem:$0x3F9F]  }
0x1a: {  	s8 =	sadd.s32 $0xFFFFE003, lr  }
0x1b: {  	s9 =	sadd.s32 $0xFFFFFEF7, lr;
	s5 =	simm.s32 $0xFFFFFFFF;
	p2 =	slt.u32 s8, $0xFFFFF086  }
0x1c: {  	p1 =	slt.u32 s9, $0xF7A;
	s5 =	simm.s32 @!p2 $0x0  }
0x1d: {  	s5 =	simm.s32 @p1 $0x1;
	p0 =	seq.s32 s7, s2  }
0x1e: {  	s7 =	smul.u32 @!p0 $0xF7A, s2;
	p2 =	seq.s32 @!p0 s5, $0x0  }
0x1f: {  	s9 =	smul.u32 $0xF7A, s1;
	s8 =	simm.s32 @!p0 $0x1BF5;
	p2 =	por !p2, p0  }
0x20: {  	[sflag:s8] =	ssyncset.s32 @!p0 $0xFFFFF086;
	s6 =	sadd.s32 @!p0 s3, s7;
	s7 =	simm.s32 @!p0 $0x108  }
0x21: {  	s3 =	sadd.s32 s3, s9;
	s6 =	sadd.s32 @!p0 $0x88, s6;
	s7 =	simm.s32 @p2 $0x1082  }
0x22: {  	[simem:s7], [sflag:s8] =	dma.local @!p0 [hbm:s6], $0xF7A  }
0x23: {  	s9 =	sor.u32 $0xD0000000, s2;
	s6 =	simm.s32 $0x108;
	_ =	swait.ge @!p0 [sflag:s8], $0x0  }
0x24: {  	s3 =	sadd.s32 $0x88, s3;
	s6 =	simm.s32 @!p1 $0x1082;
	[sflag:s4] =	ssyncset.s32 $0xFFFFF086  }
0x25: {  	[simem:s6], [sflag:s4] =	dma.local [hbm:s3], $0xF7A  }
0x26: {  	[smem:$0x3F9F] =	sst s1;
	(tag) =	ssettag s2;
	_ =	strace s9  }
0x27: {  	s1 =	sld [smem:$0x3FAF]  }
0x28: {  	s2 =	sld [smem:$0x3FB0]  }
0x29: {  	s4 =	sld [smem:$0x3FB2]  }
0x2a: {  	p0 =	seq.s32 s5, $0x0;
	s5 =	sld [smem:$0x3FB3]  }
0x2b: {  	s6 =	sld [smem:$0x3FB4]  }
0x2c: {  	s7 =	sld [smem:$0x3FB5]  }
0x2d: {  	s3 =	simm.s32 $0x108;
	s8 =	sld [smem:$0x3FB6]  }
0x2e: {  	s3 =	simm.s32 @!p0 $0x1082;
	s9 =	sld [smem:$0x3FB7]  }
0x2f: {  	lr =	sadd.s32 s0, s3;
	s0 =	sld [smem:$0x3FAE]  }
0x30: {  	s3 =	sld [smem:$0x3FB1]  }
0x31: {  	[smem:$0x3FBA] =	sst s10  }
0x32: {  	s10 =	sld [smem:$0x3FB8];
	_ =	sdelay $0x3  }
0x33: {  	p0 =	seq.s32 s10, $0x1;
	s10 =	sld [smem:$0x3FBA];
	_ =	sdelay $0x3  }
0x34: {  	[smem:$0x3FBA] =	sst s10  }
0x35: {  	s10 =	sld [smem:$0x3FB9];
	_ =	sdelay $0x3  }
0x36: {  	p1 =	seq.s32 s10, $0x1;
	s10 =	sld [smem:$0x3FBA];
	_ =	sdelay $0x3  }
0x37: {  	[smem:$0x3FBA] =	sst s10  }
0x38: {  	s10 =	sld [smem:$0x3FBB]  }
0x39: {  	_ = 	snop;
	(pc) =	sbr.ind lr, $3  }
0x3a: {  	_ = 	snop  }
0x3b: {  	_ = 	snop  }
0x3c: {  	p2 =	seq.s32 s10, $0x1;
	s10 =	sld [smem:$0x3FBA]  }
0x3d: {  	_ =	shalt  }
0x3e: {  	_ =	shalt  }
0x3f: {  	_ =	shalt  }
0x40: {  	_ =	shalt  }
0x41: {  	_ =	shalt  }
0x42: {  	_ =	shalt  }
0x43: {  	_ =	shalt  }
0x44: {  	_ =	shalt  }
0x45: {  	_ =	shalt  }
0x46: {  	_ =	shalt  }
0x47: {  	_ =	shalt  }
0x48: {  	_ =	shalt  }
0x49: {  	_ =	shalt  }
0x4a: {  	_ =	shalt  }
0x4b: {  	_ =	shalt  }
0x4c: {  	_ =	shalt  }
0x4d: {  	_ =	shalt  }
0x4e: {  	_ =	shalt  }
0x4f: {  	_ =	shalt  }
0x50: {  	_ =	shalt  }
0x51: {  	_ =	shalt  }
0x52: {  	_ =	shalt  }
0x53: {  	_ =	shalt  }
0x54: {  	_ =	shalt  }
0x55: {  	_ =	shalt  }
0x56: {  	_ =	shalt  }
0x57: {  	_ =	shalt  }
0x58: {  	_ =	shalt  }
0x59: {  	_ =	shalt  }
0x5a: {  	_ =	shalt  }
0x5b: {  	_ =	shalt  }
0x5c: {  	_ =	shalt  }
0x5d: {  	_ =	shalt  }
0x5e: {  	_ =	shalt  }
0x5f: {  	_ =	shalt  }
0x60: {  	_ =	shalt  }
0x61: {  	_ =	shalt  }
0x62: {  	_ =	shalt  }
0x63: {  	_ =	shalt  }
0x64: {  	_ =	shalt  }
0x65: {  	_ =	shalt  }
0x66: {  	_ =	shalt  }
0x67: {  	_ =	shalt  }
0x68: {  	_ =	shalt  }
0x69: {  	_ =	shalt  }
0x6a: {  	_ =	shalt  }
0x6b: {  	_ =	shalt  }
0x6c: {  	_ =	shalt  }
0x6d: {  	_ =	shalt  }
0x6e: {  	_ =	shalt  }
0x6f: {  	_ =	shalt  }
0x70: {  	_ =	shalt  }
0x71: {  	_ =	shalt  }
0x72: {  	_ =	shalt  }
0x73: {  	_ =	shalt  }
0x74: {  	_ =	shalt  }
0x75: {  	_ =	shalt  }
0x76: {  	_ =	shalt  }
0x77: {  	_ =	shalt  }
0x78: {  	_ =	shalt  }
0x79: {  	_ =	shalt  }
0x7a: {  	_ =	shalt  }
0x7b: {  	_ =	shalt  }
0x7c: {  	_ =	shalt  }
0x7d: {  	_ =	shalt  }
0x7e: {  	_ =	shalt  }
0x7f: {  	_ =	shalt  }
0x80: {  	_ =	shalt  }
0x81: {  	_ =	shalt  }
0x82: {  	_ =	shalt  }
0x83: {  	_ =	shalt  }
0x84: {  	_ =	shalt  }
0x85: {  	_ =	shalt  }
0x86: {  	_ =	shalt  }
0x87: {  	_ =	shalt  }
.Lfunc_end0:
.L_simem_size_0:
called_computation.1_lowered:
.L_overlay_start_0:
0x88: {  	s2 =	sld [smem:$0x3FD9]  }
0x89: {  	s3 =	sld [smem:$0x3FFE];
	_ =	sdelay $0x1  }
0x8a: {  	s1 =	srdreg.scid  }
0x8b: {  	s0 =	sand.u32 $0x1, s1  }
0x8c: {  	s17 =	sshll.u32 s0, $0xA;
	s2 =	sadd.s32 s3, s2  }
0x8d: {  	s2 =	sadd.s32 s2, s17  }
0x8e: {  	[smem:$0x3FC6] =	sst s2  }
0x8f: {  	_ = 	snop  }
0x90: {  	s2 =	sld [smem:$0x3FD0];
	(tm) =	ssettm $0x1  }
0x91: {  	s18 =	sld [smem:$0x3FFB];
	_ =	sdelay $0x3  }
0x92: {  	_ =	strace s18  }
0x93: {  	s3 =	sld [smem:$0x3FFC];
	_ =	sdelay $0x3  }
0x94: {  	_ =	strace s3  }
0x95: {  	s3 =	sld [smem:$0x3FFD];
	_ =	sdelay $0x3  }
0x96: {  	_ =	strace s3  }
0x97: {  	_ =	strace $0x8FFFFFFF  }
0x98: {  	s19 =	sld [smem:$0x3FDB];
	_ =	sdelay $0x1  }
0x99: {  	s4 =	simm.s32 $_scs_section_size  }
0x9a: {  	s5 =	simm.s32 $_size__tile_overlayer_lowered;
	s6 =	simm.s32 $_tile_overlayer_lowered  }
0x9b: {  	s22 =	simm.s32 $0x1BFF;
	s21 =	sshll.u32 s6, $0x1;
	s3 =	sadd.s32 s4, s19  }
0x9c: {  	s7 =	simm.s32 $0x0;
	s20 =	sshll.u32 s5, $0x1;
	s5 =	sadd.s32 s21, s3  }
0x9d: {  	[timem:s7], [sflag:s22] =	dma.local [hbm:s5], s20  }
0x9e: {  	_ =	swait.ge [sflag:s22], s20  }
0x9f: {  	s4 =	ssub.s32 $0x0, s20;
	[sflag:s22] =	ssyncset.done $0x0  }
0xa0: {  	[sflag:s22] =	ssyncadd.s32 s4;
	_ =	sdelay $0x1  }
0xa1: {  	s23 =	simm.s32 $0x1B8B  }
0xa2: {  	_ =	swait.ge [sflag:s23], $0x1  }
0xa3: {  	[sflag:s23] =	ssyncset.done $0x0  }
0xa4: {  	s25 =	simm.s32 $0x1B8E;
	s24 =	sld [smem:$0x3FFE];
	[sflag:s23] =	ssyncadd.s32 $0xFFFFFFFF  }
0xa5: {  	s26 =	simm.s32 $execute0_lowered;
	[smem:$0x3FD2] =	sst s25  }
0xa6: {  	s5 =	sshll.u32 s26, $0x1;
	_ =	strace $0x80000046;
	[dreg:$0x1] =	wrdreg $0xFFFFFFFF  }
0xa7: {  	s28 =	simm.s32 $_size_execute0_lowered;
	s3 =	sadd.s32 s3, s5;
	[dreg:$0x0] =	wrdreg $0x0  }
0xa8: {  	s5 =	sshll.u32 s28, $0x1;
	[dreg:$0x2] =	wrdreg s3  }
0xa9: {  	[dreg:$0x3] =	wrdreg s5  }
0xaa: {  	[dreg:$0x4] =	wrdreg $0xC0  }
0xab: {  	_ =	task [dreg:s7], $0x5FFFF  }
0xac: {  	[dreg:$0x1] =	wrdreg $0xFFFFFFFF  }
0xad: {  	[dreg:$0x0] =	wrdreg $0x60  }
0xae: {  	[dreg:$0x2] =	wrdreg s24  }
0xaf: {  	[dreg:$0x3] =	wrdreg s2  }
0xb0: {  	[dreg:$0x4] =	wrdreg $0x9  }
0xb1: {  	_ =	task.clear_ibuf [dreg:s7], $0x5FFFF;
	_ =	strace $0x90000046  }
0xb2: {  	s29 =	simm.s32 $0x9;
	_ =	strace $0x80000048  }
0xb3: {  	_ =	swait.ge [sflag:s29], $0x1  }
0xb4: {  	[sflag:s29] =	ssyncadd.s32 $0xFFFFFFFF  }
0xb5: {  	_ =	strace $0x90000048  }
0xb6: {  	_ =	sfence  }
0xb7: {  	s30 =	sld [smem:$0x0];
	_ =	sdelay $0x2  }
0xb8: {  	s31 =	sshll.u32 s1, $0xD;
	s1 =	sshrl.u32 s1, $0x2  }
0xb9: {  	s3 =	sand.u32 $0x4000, s31;
	s1 =	sadd.s32 s1, s30  }
0xba: {  	s0 =	sor.u32 s3, s0;
	s1 =	sshll.u32 s1, $0x11  }
0xbb: {  	s0 =	sor.u32 s1, s0  }
0xbc: {  	s0 =	sadd.s32 $0x8F2B, s0  }
0xbd: {  	[sflag:s0] =	ssyncadd.remote.s32 $0x1  }
0xbe: {  	_ =	sfence.sel $0xFFFF  }
0xbf: {  	[dreg:$0x0] =	wrdreg $0xFFFFFFFF;
	(pc) =	sbr.abs _section_cstart, $3  }
0xc0: {  	[dreg:$0x1] =	wrdreg $0xFFFFFFFF  }
0xc1: {  	_ =	task.clear_ibuf [dreg:s7], $0x2FFFF;
	_ =	strace $0x9FFFFFFF  }
0xc2: {  	(tm) =	ssettm $0x7FFFFFFF  }
0xc3: {  	_ =	shalt  }
tec
execute0_lowered:
.L_overlay_start_1:
0x0: {  	(tag) =	ssettag $0x1  }
0x1: {  	s0 =	rddreg [dreg:$0x0];
	s1 =	srdreg.scid  }
0x2: {  	s7 =	stileid.u32;
	s8 =	rddreg [dreg:$0x1]  }
0x3: {  	s2 =	simm.s32 $0x0;
	s12 =	simm.s32 $0x5;
	s13 =	simm.s32 $0x80  }
0x4: {  	s14 =	simm.s32 $0x1900;
	s15 =	simm.s32 $0x3900;
	s17 =	simm.s32 $0x5900  }
0x5: {  	s19 =	simm.s32 $0x7900;
	s21 =	simm.s32 $0x9900;
	s22 =	simm.s32 $0x1  }
0x6: {  	s29 =	simm.s32 $0xF900;
	s31 =	simm.s32 $0x11900;
	s16 =	simm.s32 $0x2  }
0x7: {  	s1 =	sand.u32 $0x1, s1;
	s3 =	sshll.u32 s7, $0x1;
	s7 =	smul.u32 $0x3200, s7  }
0x8: {  	s4 =	sor.u32 s1, s3;
	s6 =	ssub.s32 $0x2, s1;
	s1 =	smul.u32 $0x1900, s1  }
0x9: {  	s18 =	simm.s32 $0x3;
	s20 =	simm.s32 $0x0;
	s3 =	smul.u32 $0x1900, s4  }
0xa: {  	[smem:$0x7FF] =	sst s2;
	s5 =	smul.u32 $0x64000, s4;
	s10 =	sshrl.u32 s6, $0x1  }
0xb: {  	_ =	strace $0x80000047;
	s24 =	smul.u32 $0xC800, s4;
	s23 =	ssub.s32 s6, s10  }
0xc: {  	s1 =	sadd.s32 s1, s7;
	s3 =	sshrl.u32 s3, $0x3;
	s26 =	sshrl.u32 s5, $0x3  }
0xd: {  	s5 =	sadd.s32 s8, s24;
	s1 =	sshll.u32 s1, $0x3;
	s7 =	smax.u32 s23, $0x1  }
0xe: {  	s24 =	simm.s32 $0xB900;
	s9 =	sadd.s32 s3, s0;
	s3 =	sadd.s32 $0xF42E00, s0  }
0xf: {  	s28 =	sadd.s32 s8, s26;
	s30 =	sadd.s32 s8, s1;
	s8 =	sadd.s32 $0xA000, s5  }
0x10: {  	s26 =	simm.s32 $0xD900;
	s0 =	simm.s32 $0x13900;
	s1 =	simm.s32 $0x4  }
0x11: {  	s25 =	sadd.s32 $0xA00, s9;
	s6 =	sadd.s32 $0x1400, s28;
	s9 =	sadd.s32 $0xB400, s5  }
0x12: {  	s10 =	sadd.s32 $0x2800, s30;
	s11 =	sadd.s32 $0x3C00, s30;
	[dreg:$0x3] =	wrdreg s25  }
.LBB2_1:
0x13: {  	s4 =	rddreg [dreg:$0x3]  }
0x14: {  	[tilespmem:s2], [sflag:$0x5] =	stream.linear.gather [hbm4b:s4+s2], $0x1900, $0x38;
	[tilespmem:$0x15900] =	vst v63  }
0x15: {  	_ =	swait.ge [sflag:s12], $0x1900  }
0x16: {  	[sflag:s12] =	ssyncset.done $0x0  }
0x17: {  	[sflag:s12] =	ssyncadd.s32 $0xFFFFE700  }
0x18: {  	[tilespmem:s14], [sflag:$0x1] =	stream.indirect.gather [hbm4b:s3+s13], $0x40, s2, s13, $0xb8;
	[tilespmem:$0x15900] =	vst v63  }
0x19: {  	_ = 	snop  }
0x1a: {  	[tilespmem:s15], [sflag:$0x1] =	stream.indirect.gather [hbm4b:s3+s13], $0x40, s13, s13, $0xb8;
	[tilespmem:$0x15900] =	vst v63  }
0x1b: {  	s25 =	simm.s32 $0x100  }
0x1c: {  	[tilespmem:s17], [sflag:$0x1] =	stream.indirect.gather [hbm4b:s3+s13], $0x40, s25, s13, $0xb8;
	[tilespmem:$0x15900] =	vst v63  }
0x1d: {  	s23 =	simm.s32 $0x180  }
0x1e: {  	[tilespmem:s19], [sflag:$0x1] =	stream.indirect.gather [hbm4b:s3+s13], $0x40, s23, s13, $0xb8;
	[tilespmem:$0x15900] =	vst v63  }
0x1f: {  	s25 =	simm.s32 $0x200  }
0x20: {  	[tilespmem:s21], [sflag:$0x1] =	stream.indirect.gather [hbm4b:s3+s13], $0x40, s25, s13, $0xb8;
	[tilespmem:$0x15900] =	vst v63  }
0x21: {  	_ =	swait.ge [sflag:s22], $0x2000  }
0x22: {  	[sflag:s22] =	ssyncset.done $0x0  }
0x23: {  	[sflag:s22] =	ssyncadd.s32 $0xFFFFE000  }
0x24: {  	_ =	swait.ge [sflag:s22], $0x2000  }
0x25: {  	[sflag:s22] =	ssyncset.done $0x0  }
0x26: {  	[sflag:s22] =	ssyncadd.s32 $0xFFFFE000  }
0x27: {  	_ =	swait.ge [sflag:s22], $0x2000  }
0x28: {  	[sflag:s22] =	ssyncset.done $0x0  }
0x29: {  	[sflag:s22] =	ssyncadd.s32 $0xFFFFE000  }
0x2a: {  	_ =	swait.ge [sflag:s22], $0x2000  }
0x2b: {  	[sflag:s22] =	ssyncset.done $0x0  }
0x2c: {  	[sflag:s22] =	ssyncadd.s32 $0xFFFFE000  }
0x2d: {  	_ =	swait.ge [sflag:s22], $0x2000  }
0x2e: {  	[sflag:s22] =	ssyncset.done $0x0  }
0x2f: {  	[sflag:s22] =	ssyncadd.s32 $0xFFFFE000  }
0x30: {  	[hbm4b:s5+s2] =	stream.linear.scatter [tilespmem:s14], [sflag:$0x3], $0xA000, $0x38;
	[tilespmem:$0x15900] =	vst v63  }
0x31: {  	s23 =	simm.s32 $0x280  }
0x32: {  	[tilespmem:s24], [sflag:$0x2] =	stream.indirect.gather [hbm4b:s3+s13], $0x40, s23, s13, $0xb8;
	[tilespmem:$0x15900] =	vst v63  }
0x33: {  	s25 =	simm.s32 $0x300  }
0x34: {  	[tilespmem:s26], [sflag:$0x2] =	stream.indirect.gather [hbm4b:s3+s13], $0x40, s25, s13, $0xb8;
	[tilespmem:$0x15900] =	vst v63  }
0x35: {  	s23 =	simm.s32 $0x380  }
0x36: {  	[tilespmem:s29], [sflag:$0x2] =	stream.indirect.gather [hbm4b:s3+s13], $0x40, s23, s13, $0xb8;
	[tilespmem:$0x15900] =	vst v63  }
0x37: {  	s25 =	simm.s32 $0x400  }
0x38: {  	[tilespmem:s31], [sflag:$0x2] =	stream.indirect.gather [hbm4b:s3+s13], $0x40, s25, s13, $0xb8;
	[tilespmem:$0x15900] =	vst v63  }
0x39: {  	s23 =	simm.s32 $0x480  }
0x3a: {  	[tilespmem:s0], [sflag:$0x2] =	stream.indirect.gather [hbm4b:s3+s13], $0x40, s23, s13, $0xb8;
	[tilespmem:$0x15900] =	vst v63  }
0x3b: {  	_ =	swait.ge [sflag:s16], $0x2000  }
0x3c: {  	[sflag:s16] =	ssyncset.done $0x0  }
0x3d: {  	[sflag:s16] =	ssyncadd.s32 $0xFFFFE000  }
0x3e: {  	_ =	swait.ge [sflag:s16], $0x2000  }
0x3f: {  	[sflag:s16] =	ssyncset.done $0x0  }
0x40: {  	[sflag:s16] =	ssyncadd.s32 $0xFFFFE000  }
0x41: {  	_ =	swait.ge [sflag:s16], $0x2000  }
0x42: {  	[sflag:s16] =	ssyncset.done $0x0  }
0x43: {  	[sflag:s16] =	ssyncadd.s32 $0xFFFFE000  }
0x44: {  	_ =	swait.ge [sflag:s16], $0x2000  }
0x45: {  	[sflag:s16] =	ssyncset.done $0x0  }
0x46: {  	[sflag:s16] =	ssyncadd.s32 $0xFFFFE000  }
0x47: {  	_ =	swait.ge [sflag:s16], $0x2000  }
0x48: {  	[sflag:s16] =	ssyncset.done $0x0  }
0x49: {  	[sflag:s16] =	ssyncadd.s32 $0xFFFFE000  }
0x4a: {  	[hbm4b:s6+s2] =	stream.linear.scatter [tilespmem:s24], [sflag:$0x4], $0xA000, $0x38;
	[tilespmem:$0x15900] =	vst v63  }
0x4b: {  	_ =	swait.ge [sflag:s18], $0xA000  }
0x4c: {  	[sflag:s18] =	ssyncset.done $0x0  }
0x4d: {  	s25 =	simm.s32 $0x500;
	[sflag:s18] =	ssyncadd.s32 $0xFFFF6000  }
0x4e: {  	[tilespmem:s14], [sflag:$0x1] =	stream.indirect.gather [hbm4b:s3+s13], $0x40, s25, s13, $0xb8;
	[tilespmem:$0x15900] =	vst v63  }
0x4f: {  	s23 =	simm.s32 $0x580  }
0x50: {  	[tilespmem:s15], [sflag:$0x1] =	stream.indirect.gather [hbm4b:s3+s13], $0x40, s23, s13, $0xb8;
	[tilespmem:$0x15900] =	vst v63  }
0x51: {  	s25 =	simm.s32 $0x600  }
0x52: {  	[tilespmem:s17], [sflag:$0x1] =	stream.indirect.gather [hbm4b:s3+s13], $0x40, s25, s13, $0xb8;
	[tilespmem:$0x15900] =	vst v63  }
0x53: {  	s23 =	simm.s32 $0x680  }
0x54: {  	[tilespmem:s19], [sflag:$0x1] =	stream.indirect.gather [hbm4b:s3+s13], $0x40, s23, s13, $0xb8;
	[tilespmem:$0x15900] =	vst v63  }
0x55: {  	s25 =	simm.s32 $0x700  }
0x56: {  	[tilespmem:s21], [sflag:$0x1] =	stream.indirect.gather [hbm4b:s3+s13], $0x40, s25, s13, $0xb8;
	[tilespmem:$0x15900] =	vst v63  }
0x57: {  	_ =	swait.ge [sflag:s22], $0x2000  }
0x58: {  	[sflag:s22] =	ssyncset.done $0x0  }
0x59: {  	[sflag:s22] =	ssyncadd.s32 $0xFFFFE000  }
0x5a: {  	_ =	swait.ge [sflag:s22], $0x2000  }
0x5b: {  	[sflag:s22] =	ssyncset.done $0x0  }
0x5c: {  	[sflag:s22] =	ssyncadd.s32 $0xFFFFE000  }
0x5d: {  	_ =	swait.ge [sflag:s22], $0x2000  }
0x5e: {  	[sflag:s22] =	ssyncset.done $0x0  }
0x5f: {  	[sflag:s22] =	ssyncadd.s32 $0xFFFFE000  }
0x60: {  	_ =	swait.ge [sflag:s22], $0x2000  }
0x61: {  	[sflag:s22] =	ssyncset.done $0x0  }
0x62: {  	[sflag:s22] =	ssyncadd.s32 $0xFFFFE000  }
0x63: {  	_ =	swait.ge [sflag:s22], $0x2000  }
0x64: {  	[sflag:s22] =	ssyncset.done $0x0  }
0x65: {  	[sflag:s22] =	ssyncadd.s32 $0xFFFFE000  }
0x66: {  	[hbm4b:s10+s2] =	stream.linear.scatter [tilespmem:s14], [sflag:$0x3], $0xA000, $0x38;
	[tilespmem:$0x15900] =	vst v63  }
0x67: {  	_ =	swait.ge [sflag:s1], $0xA000  }
0x68: {  	[sflag:s1] =	ssyncset.done $0x0  }
0x69: {  	s23 =	simm.s32 $0x780;
	[sflag:s1] =	ssyncadd.s32 $0xFFFF6000  }
0x6a: {  	[tilespmem:s24], [sflag:$0x2] =	stream.indirect.gather [hbm4b:s3+s13], $0x40, s23, s13, $0xb8;
	[tilespmem:$0x15900] =	vst v63  }
0x6b: {  	s4 =	simm.s32 $0x800  }
0x6c: {  	[tilespmem:s26], [sflag:$0x2] =	stream.indirect.gather [hbm4b:s3+s13], $0x40, s4, s13, $0xb8;
	[tilespmem:$0x15900] =	vst v63  }
0x6d: {  	s25 =	simm.s32 $0x880  }
0x6e: {  	[tilespmem:s29], [sflag:$0x2] =	stream.indirect.gather [hbm4b:s3+s13], $0x40, s25, s13, $0xb8;
	[tilespmem:$0x15900] =	vst v63  }
0x6f: {  	s4 =	simm.s32 $0x900  }
0x70: {  	[tilespmem:s31], [sflag:$0x2] =	stream.indirect.gather [hbm4b:s3+s13], $0x40, s4, s13, $0xb8;
	[tilespmem:$0x15900] =	vst v63  }
0x71: {  	s25 =	simm.s32 $0x980  }
0x72: {  	[tilespmem:s0], [sflag:$0x2] =	stream.indirect.gather [hbm4b:s3+s13], $0x40, s25, s13, $0xb8;
	[tilespmem:$0x15900] =	vst v63  }
0x73: {  	_ =	swait.ge [sflag:s16], $0x2000  }
0x74: {  	[sflag:s16] =	ssyncset.done $0x0  }
0x75: {  	[sflag:s16] =	ssyncadd.s32 $0xFFFFE000  }
0x76: {  	_ =	swait.ge [sflag:s16], $0x2000  }
0x77: {  	[sflag:s16] =	ssyncset.done $0x0  }
0x78: {  	[sflag:s16] =	ssyncadd.s32 $0xFFFFE000  }
0x79: {  	_ =	swait.ge [sflag:s16], $0x2000  }
0x7a: {  	[sflag:s16] =	ssyncset.done $0x0  }
0x7b: {  	[sflag:s16] =	ssyncadd.s32 $0xFFFFE000  }
0x7c: {  	_ =	swait.ge [sflag:s16], $0x2000  }
0x7d: {  	[sflag:s16] =	ssyncset.done $0x0  }
0x7e: {  	[sflag:s16] =	ssyncadd.s32 $0xFFFFE000  }
0x7f: {  	_ =	swait.ge [sflag:s16], $0x2000  }
0x80: {  	[sflag:s16] =	ssyncset.done $0x0  }
0x81: {  	[sflag:s16] =	ssyncadd.s32 $0xFFFFE000  }
0x82: {  	[hbm4b:s11+s2] =	stream.linear.scatter [tilespmem:s24], [sflag:$0x4], $0xA000, $0x38;
	[tilespmem:$0x15900] =	vst v63  }
0x83: {  	_ =	swait.ge [sflag:s18], $0xA000  }
0x84: {  	[sflag:s18] =	ssyncset.done $0x0  }
0x85: {  	s4 =	simm.s32 $0xA00;
	[sflag:s18] =	ssyncadd.s32 $0xFFFF6000  }
0x86: {  	[tilespmem:s14], [sflag:$0x1] =	stream.indirect.gather [hbm4b:s3+s13], $0x40, s4, s13, $0xb8;
	[tilespmem:$0x15900] =	vst v63  }
0x87: {  	s25 =	simm.s32 $0xA80  }
0x88: {  	[tilespmem:s15], [sflag:$0x1] =	stream.indirect.gather [hbm4b:s3+s13], $0x40, s25, s13, $0xb8;
	[tilespmem:$0x15900] =	vst v63  }
0x89: {  	s4 =	simm.s32 $0xB00  }
0x8a: {  	[tilespmem:s17], [sflag:$0x1] =	stream.indirect.gather [hbm4b:s3+s13], $0x40, s4, s13, $0xb8;
	[tilespmem:$0x15900] =	vst v63  }
0x8b: {  	s30 =	simm.s32 $0xC00;
	s25 =	simm.s32 $0xB80  }
0x8c: {  	[tilespmem:s19], [sflag:$0x1] =	stream.indirect.gather [hbm4b:s3+s13], $0x40, s25, s13, $0xb8;
	[tilespmem:$0x15900] =	vst v63  }
0x8d: {  	s28 =	sadd.s32 $0x2800, s11;
	s23 =	simm.s32 $0x1400;
	s25 =	sadd.s32 $0x2800, s10  }
.LBB2_2:
0x8e: {  	[tilespmem:s21], [sflag:$0x1] =	stream.indirect.gather [hbm4b:s3+s13], $0x40, s30, s13, $0xb8;
	[tilespmem:$0x15900] =	vst v63  }
0x8f: {  	s30 =	smov.u32 s23  }
0x90: {  	p0 =	sne.s32 s23, $0x2800;
	s23 =	sadd.s32 $0x1400, s23;
	_ =	swait.ge [sflag:s22], $0x2000  }
0x91: {  	[sflag:s22] =	ssyncset.done $0x0  }
0x92: {  	[sflag:s22] =	ssyncadd.s32 $0xFFFFE000  }
0x93: {  	_ =	swait.ge [sflag:s22], $0x2000  }
0x94: {  	[sflag:s22] =	ssyncset.done $0x0  }
0x95: {  	[sflag:s22] =	ssyncadd.s32 $0xFFFFE000  }
0x96: {  	_ =	swait.ge [sflag:s22], $0x2000  }
0x97: {  	[sflag:s22] =	ssyncset.done $0x0  }
0x98: {  	[sflag:s22] =	ssyncadd.s32 $0xFFFFE000  }
0x99: {  	_ =	swait.ge [sflag:s22], $0x2000  }
0x9a: {  	[sflag:s22] =	ssyncset.done $0x0  }
0x9b: {  	[sflag:s22] =	ssyncadd.s32 $0xFFFFE000  }
0x9c: {  	_ =	swait.ge [sflag:s22], $0x2000  }
0x9d: {  	[sflag:s22] =	ssyncset.done $0x0  }
0x9e: {  	[sflag:s22] =	ssyncadd.s32 $0xFFFFE000  }
0x9f: {  	[hbm4b:s25+s2] =	stream.linear.scatter [tilespmem:s14], [sflag:$0x3], $0xA000, $0x38;
	[tilespmem:$0x15900] =	vst v63  }
0xa0: {  	_ =	swait.ge [sflag:s1], $0xA000  }
0xa1: {  	s30 =	sshra.s32 s30, $0x2;
	[sflag:s1] =	ssyncset.done $0x0  }
0xa2: {  	s4 =	sadd.s32 $0x780, s30;
	[sflag:s1] =	ssyncadd.s32 $0xFFFF6000  }
0xa3: {  	[tilespmem:s24], [sflag:$0x2] =	stream.indirect.gather [hbm4b:s3+s13], $0x40, s4, s13, $0xb8;
	[tilespmem:$0x15900] =	vst v63  }
0xa4: {  	s4 =	sadd.s32 $0x800, s30  }
0xa5: {  	[tilespmem:s26], [sflag:$0x2] =	stream.indirect.gather [hbm4b:s3+s13], $0x40, s4, s13, $0xb8;
	[tilespmem:$0x15900] =	vst v63  }
0xa6: {  	s4 =	sadd.s32 $0x880, s30  }
0xa7: {  	[tilespmem:s29], [sflag:$0x2] =	stream.indirect.gather [hbm4b:s3+s13], $0x40, s4, s13, $0xb8;
	[tilespmem:$0x15900] =	vst v63  }
0xa8: {  	s4 =	sadd.s32 $0x900, s30  }
0xa9: {  	[tilespmem:s31], [sflag:$0x2] =	stream.indirect.gather [hbm4b:s3+s13], $0x40, s4, s13, $0xb8;
	[tilespmem:$0x15900] =	vst v63  }
0xaa: {  	s4 =	sadd.s32 $0x980, s30  }
0xab: {  	[tilespmem:s0], [sflag:$0x2] =	stream.indirect.gather [hbm4b:s3+s13], $0x40, s4, s13, $0xb8;
	[tilespmem:$0x15900] =	vst v63  }
0xac: {  	_ =	swait.ge [sflag:s16], $0x2000  }
0xad: {  	[sflag:s16] =	ssyncset.done $0x0  }
0xae: {  	[sflag:s16] =	ssyncadd.s32 $0xFFFFE000  }
0xaf: {  	_ =	swait.ge [sflag:s16], $0x2000  }
0xb0: {  	[sflag:s16] =	ssyncset.done $0x0  }
0xb1: {  	[sflag:s16] =	ssyncadd.s32 $0xFFFFE000  }
0xb2: {  	_ =	swait.ge [sflag:s16], $0x2000  }
0xb3: {  	[sflag:s16] =	ssyncset.done $0x0  }
0xb4: {  	[sflag:s16] =	ssyncadd.s32 $0xFFFFE000  }
0xb5: {  	_ =	swait.ge [sflag:s16], $0x2000  }
0xb6: {  	[sflag:s16] =	ssyncset.done $0x0  }
0xb7: {  	[sflag:s16] =	ssyncadd.s32 $0xFFFFE000  }
0xb8: {  	_ =	swait.ge [sflag:s16], $0x2000  }
0xb9: {  	[sflag:s16] =	ssyncset.done $0x0  }
0xba: {  	[sflag:s16] =	ssyncadd.s32 $0xFFFFE000  }
0xbb: {  	[hbm4b:s28+s2] =	stream.linear.scatter [tilespmem:s24], [sflag:$0x4], $0xA000, $0x38;
	[tilespmem:$0x15900] =	vst v63  }
0xbc: {  	_ =	swait.ge [sflag:s18], $0xA000  }
0xbd: {  	[sflag:s18] =	ssyncset.done $0x0  }
0xbe: {  	s4 =	sadd.s32 $0xA00, s30;
	[sflag:s18] =	ssyncadd.s32 $0xFFFF6000  }
0xbf: {  	[tilespmem:s14], [sflag:$0x1] =	stream.indirect.gather [hbm4b:s3+s13], $0x40, s4, s13, $0xb8;
	[tilespmem:$0x15900] =	vst v63  }
0xc0: {  	s4 =	sadd.s32 $0xA80, s30  }
0xc1: {  	[tilespmem:s15], [sflag:$0x1] =	stream.indirect.gather [hbm4b:s3+s13], $0x40, s4, s13, $0xb8;
	[tilespmem:$0x15900] =	vst v63  }
.Ltmp0:
0xc2: {  	s4 =	sadd.s32 $0xB00, s30;
	(pc) =	sbr.rel @p0 .LBB2_2-.Ltmp0, $4  }
0xc3: {  	[tilespmem:s17], [sflag:$0x1] =	stream.indirect.gather [hbm4b:s3+s13], $0x40, s4, s13, $0xb8;
	[tilespmem:$0x15900] =	vst v63  }
0xc4: {  	s4 =	sadd.s32 $0xB80, s30  }
0xc5: {  	[tilespmem:s19], [sflag:$0x1] =	stream.indirect.gather [hbm4b:s3+s13], $0x40, s4, s13, $0xb8;
	[tilespmem:$0x15900] =	vst v63  }
0xc6: {  	s25 =	sadd.s32 $0x2800, s25;
	s28 =	sadd.s32 $0x2800, s28;
	s30 =	sadd.s32 $0xC00, s30  }
0xc7: {  	[tilespmem:s21], [sflag:$0x1] =	stream.indirect.gather [hbm4b:s3+s13], $0x40, s30, s13, $0xb8;
	[tilespmem:$0x15900] =	vst v63  }
0xc8: {  	_ =	swait.ge [sflag:s22], $0x2000  }
0xc9: {  	[sflag:s22] =	ssyncset.done $0x0  }
0xca: {  	[sflag:s22] =	ssyncadd.s32 $0xFFFFE000  }
0xcb: {  	_ =	swait.ge [sflag:s22], $0x2000  }
0xcc: {  	[sflag:s22] =	ssyncset.done $0x0  }
0xcd: {  	[sflag:s22] =	ssyncadd.s32 $0xFFFFE000  }
0xce: {  	_ =	swait.ge [sflag:s22], $0x2000  }
0xcf: {  	[sflag:s22] =	ssyncset.done $0x0  }
0xd0: {  	[sflag:s22] =	ssyncadd.s32 $0xFFFFE000  }
0xd1: {  	_ =	swait.ge [sflag:s22], $0x2000  }
0xd2: {  	[sflag:s22] =	ssyncset.done $0x0  }
0xd3: {  	[sflag:s22] =	ssyncadd.s32 $0xFFFFE000  }
0xd4: {  	_ =	swait.ge [sflag:s22], $0x2000  }
0xd5: {  	[sflag:s22] =	ssyncset.done $0x0  }
0xd6: {  	[sflag:s22] =	ssyncadd.s32 $0xFFFFE000  }
0xd7: {  	[hbm4b:s8+s2] =	stream.linear.scatter [tilespmem:s14], [sflag:$0x3], $0xA000, $0x38;
	[tilespmem:$0x15900] =	vst v63  }
0xd8: {  	_ =	swait.ge [sflag:s1], $0xA000  }
0xd9: {  	[sflag:s1] =	ssyncset.done $0x0  }
0xda: {  	s4 =	simm.s32 $0x1680;
	[sflag:s1] =	ssyncadd.s32 $0xFFFF6000  }
0xdb: {  	[tilespmem:s24], [sflag:$0x2] =	stream.indirect.gather [hbm4b:s3+s13], $0x40, s4, s13, $0xb8;
	[tilespmem:$0x15900] =	vst v63  }
0xdc: {  	s23 =	simm.s32 $0x1700  }
0xdd: {  	[tilespmem:s26], [sflag:$0x2] =	stream.indirect.gather [hbm4b:s3+s13], $0x40, s23, s13, $0xb8;
	[tilespmem:$0x15900] =	vst v63  }
0xde: {  	s25 =	simm.s32 $0x1780  }
0xdf: {  	[tilespmem:s29], [sflag:$0x2] =	stream.indirect.gather [hbm4b:s3+s13], $0x40, s25, s13, $0xb8;
	[tilespmem:$0x15900] =	vst v63  }
0xe0: {  	s28 =	simm.s32 $0x1800  }
0xe1: {  	[tilespmem:s31], [sflag:$0x2] =	stream.indirect.gather [hbm4b:s3+s13], $0x40, s28, s13, $0xb8;
	[tilespmem:$0x15900] =	vst v63  }
0xe2: {  	s30 =	simm.s32 $0x1880  }
0xe3: {  	[tilespmem:s0], [sflag:$0x2] =	stream.indirect.gather [hbm4b:s3+s13], $0x40, s30, s13, $0xb8;
	[tilespmem:$0x15900] =	vst v63  }
0xe4: {  	_ =	swait.ge [sflag:s16], $0x2000  }
0xe5: {  	[sflag:s16] =	ssyncset.done $0x0  }
0xe6: {  	[sflag:s16] =	ssyncadd.s32 $0xFFFFE000  }
0xe7: {  	_ =	swait.ge [sflag:s16], $0x2000  }
0xe8: {  	[sflag:s16] =	ssyncset.done $0x0  }
0xe9: {  	[sflag:s16] =	ssyncadd.s32 $0xFFFFE000  }
0xea: {  	_ =	swait.ge [sflag:s16], $0x2000  }
0xeb: {  	[sflag:s16] =	ssyncset.done $0x0  }
0xec: {  	[sflag:s16] =	ssyncadd.s32 $0xFFFFE000  }
0xed: {  	_ =	swait.ge [sflag:s16], $0x2000  }
0xee: {  	[sflag:s16] =	ssyncset.done $0x0  }
0xef: {  	[sflag:s16] =	ssyncadd.s32 $0xFFFFE000  }
0xf0: {  	_ =	swait.ge [sflag:s16], $0x2000  }
0xf1: {  	[sflag:s16] =	ssyncset.done $0x0  }
0xf2: {  	s20 =	sadd.s32 $0x1, s20;
	[sflag:s16] =	ssyncadd.s32 $0xFFFFE000  }
0xf3: {  	[hbm4b:s9+s2] =	stream.linear.scatter [tilespmem:s24], [sflag:$0x4], $0xA000, $0x38;
	[tilespmem:$0x15900] =	vst v63  }
0xf4: {  	p0 =	sne.s32 s20, s7;
	_ =	swait.ge [sflag:s18], $0xA000  }
.Ltmp1:
0xf5: {  	[sflag:s18] =	ssyncset.done $0x0;
	(pc) =	sbr.rel @p0 .LBB2_1-.Ltmp1, $4  }
0xf6: {  	[sflag:s18] =	ssyncadd.s32 $0xFFFF6000  }
0xf7: {  	_ =	swait.ge [sflag:s1], $0xA000  }
0xf8: {  	[sflag:s1] =	ssyncset.done $0x0  }
0xf9: {  	[sflag:s1] =	ssyncadd.s32 $0xFFFF6000  }
0xfa: {  	_ =	sfence.sel $0x180000  }
0xfb: {  	[bflag:$0x0] =	sbarrier.arrive $0xFFFF  }
0xfc: {  	_ =	strace $0x90000047  }
0xfd: {  	s0 =	stileid.u32;
	[bflag:$0x2] =	sbarrier.arrive $0xFFFF  }
0xfe: {  	p0 =	sne.s32 s0, $0x0;
	s0 =	rddreg [dreg:$0x2]  }
0xff: {  	s0 =	sadd.s32 @!p0 $0x100000, s0  }
0x100: {  	[sflag:s0] =	ssyncadd.tile.s32 @!p0 $0x1;
	_ =	shalt  }
.Lfunc_end2:
_tile_overlayer_lowered:
.L_overlay_start_2:
0x101: {  	(tag) =	ssettag $0x2  }
0x102: {  	s0 =	rddreg [dreg:$0x0];
	s2 =	stileid.u32  }
0x103: {  	s1 =	rddreg [dreg:$0x1];
	p0 =	sne.s32 s2, $0x0  }
0x104: {  	s3 =	rddreg [dreg:$0x2];
	[bflag:$0x3] =	sbarrier.arrive $0xFFFF;
	s2 =	simm.s32 @!p0 $0x1C05  }
0x105: {  	[timem:s3], [sflag:s2] =	dma.local @!p0 [hbm:s0], s1  }
0x106: {  	s0 =	simm.s32 @!p0 $0x5  }
0x107: {  	_ =	swait.ge @!p0 [sflag:s0], s1  }
0x108: {  	s1 =	ssub.s32 @!p0 $0x0, s1;
	[sflag:s0] =	ssyncset.done @!p0 $0x0  }
0x109: {  	[sflag:s0] =	ssyncadd.s32 @!p0 s1  }
0x10a: {  	[bflag:$0x3] =	sbarrier.arrive $0xFFFF  }
0x10b: {  	_ =	shalt  }

// kernel: sparse-core-data-format-call.cloned.1.call-start
scs
called_computation_lowered:
.L_overlay_start_0:
0x0: {  	s2 =	sld [smem:$0x3FD9]  }
0x1: {  	s3 =	sld [smem:$0x3FFE];
	_ =	sdelay $0x1  }
0x2: {  	s1 =	srdreg.scid  }
0x3: {  	s0 =	sand.u32 $0x1, s1  }
0x4: {  	s18 =	sshll.u32 s0, $0xA;
	s2 =	sadd.s32 s3, s2  }
0x5: {  	s2 =	sadd.s32 s2, s18  }
0x6: {  	[smem:$0x3FC6] =	sst s2  }
0x7: {  	_ = 	snop  }
0x8: {  	s2 =	sld [smem:$0x3FD0];
	(tm) =	ssettm $0x1  }
0x9: {  	s19 =	sld [smem:$0x3FFB];
	_ =	sdelay $0x3  }
0xa: {  	_ =	strace s19  }
0xb: {  	s3 =	sld [smem:$0x3FFC];
	_ =	sdelay $0x3  }
0xc: {  	_ =	strace s3  }
0xd: {  	s3 =	sld [smem:$0x3FFD];
	_ =	sdelay $0x3  }
0xe: {  	_ =	strace s3  }
0xf: {  	_ =	strace $0x8FFFFFFF  }
0x10: {  	s20 =	sld [smem:$0x3FDB];
	_ =	sdelay $0x1  }
0x11: {  	s4 =	simm.s32 $_scs_section_size  }
0x12: {  	s5 =	simm.s32 $_size__tile_overlayer_lowered;
	s6 =	simm.s32 $_tile_overlayer_lowered  }
0x13: {  	s23 =	simm.s32 $0x1BFF;
	s22 =	sshll.u32 s6, $0x1;
	s3 =	sadd.s32 s4, s20  }
0x14: {  	s7 =	simm.s32 $0x0;
	s21 =	sshll.u32 s5, $0x1;
	s5 =	sadd.s32 s22, s3  }
0x15: {  	[timem:s7], [sflag:s23] =	dma.local [hbm:s5], s21  }
0x16: {  	_ =	swait.ge [sflag:s23], s21  }
0x17: {  	s4 =	ssub.s32 $0x0, s21;
	[sflag:s23] =	ssyncset.done $0x0  }
0x18: {  	[sflag:s23] =	ssyncadd.s32 s4;
	_ =	sdelay $0x1  }
0x19: {  	s24 =	simm.s32 $0x1B8B  }
0x1a: {  	_ =	swait.ge [sflag:s24], $0x1  }
0x1b: {  	[sflag:s24] =	ssyncset.done $0x0  }
0x1c: {  	s26 =	simm.s32 $0x1B8E;
	s25 =	sld [smem:$0x3FFE];
	[sflag:s24] =	ssyncadd.s32 $0xFFFFFFFF  }
0x1d: {  	s27 =	simm.s32 $execute0_lowered;
	[smem:$0x3FD2] =	sst s26  }
0x1e: {  	s5 =	sshll.u32 s27, $0x1;
	_ =	strace $0x80000049;
	[dreg:$0x1] =	wrdreg $0xFFFFFFFF  }
0x1f: {  	s28 =	simm.s32 $_size_execute0_lowered;
	s3 =	sadd.s32 s3, s5;
	[dreg:$0x0] =	wrdreg $0x0  }
0x20: {  	s5 =	sshll.u32 s28, $0x1;
	[dreg:$0x2] =	wrdreg s3  }
0x21: {  	[dreg:$0x3] =	wrdreg s5  }
0x22: {  	[dreg:$0x4] =	wrdreg $0xC0  }
0x23: {  	_ =	task [dreg:s7], $0x5FFFF  }
0x24: {  	[dreg:$0x1] =	wrdreg $0xFFFFFFFF  }
0x25: {  	[dreg:$0x0] =	wrdreg $0x60  }
0x26: {  	[dreg:$0x2] =	wrdreg s25  }
0x27: {  	[dreg:$0x3] =	wrdreg s2  }
0x28: {  	[dreg:$0x4] =	wrdreg $0x9  }
0x29: {  	_ =	task.clear_ibuf [dreg:s7], $0x5FFFF;
	_ =	strace $0x90000049  }
0x2a: {  	s29 =	simm.s32 $0x9;
	_ =	strace $0x8000004B  }
0x2b: {  	_ =	swait.ge [sflag:s29], $0x1  }
0x2c: {  	[sflag:s29] =	ssyncadd.s32 $0xFFFFFFFF  }
0x2d: {  	_ =	strace $0x9000004B  }
0x2e: {  	_ =	sfence  }
0x2f: {  	s30 =	sld [smem:$0x0];
	_ =	sdelay $0x2  }
0x30: {  	s31 =	sshll.u32 s1, $0xD;
	s1 =	sshrl.u32 s1, $0x2  }
0x31: {  	s3 =	sand.u32 $0x4000, s31;
	s1 =	sadd.s32 s1, s30  }
0x32: {  	s0 =	sor.u32 s3, s0;
	s1 =	sshll.u32 s1, $0x11  }
0x33: {  	s0 =	sor.u32 s1, s0  }
0x34: {  	s0 =	sadd.s32 $0x8F2B, s0  }
0x35: {  	[sflag:s0] =	ssyncadd.remote.s32 $0x1  }
0x36: {  	_ =	sfence.sel $0xFFFF  }
0x37: {  	[dreg:$0x0] =	wrdreg $0xFFFFFFFF;
	(pc) =	sbr.abs _section_cstart, $3  }
0x38: {  	[dreg:$0x1] =	wrdreg $0xFFFFFFFF  }
0x39: {  	_ =	task.clear_ibuf [dreg:s7], $0x2FFFF;
	_ =	strace $0x9FFFFFFF  }
0x3a: {  	(tm) =	ssettm $0x7FFFFFFF  }
0x3b: {  	_ =	shalt  }
tec
execute0_lowered:
.L_overlay_start_1:
0x0: {  	(tag) =	ssettag $0x1  }
0x1: {  	s0 =	srdreg.scid  }
0x2: {  	s1 =	sshll.u32 s0, $0x4  }
0x3: {  	s4 =	rddreg [dreg:$0x0];
	s0 =	stileid.u32;
	s1 =	sand.u32 $0x10, s1  }
0x4: {  	s2 =	rddreg [dreg:$0x1];
	s7 =	simm.s32 $0x1;
	s1 =	sor.u32 s0, s1  }
0x5: {  	s8 =	simm.s32 $0x2;
	s11 =	simm.s32 $0x0;
	s3 =	sshll.u32 s1, $0x7  }
0x6: {  	s10 =	simm.s32 $0x0;
	s4 =	sadd.s32 $0xA00, s4;
	s6 =	ssub.s32 $0x32000, s3  }
.Ltmp0:
0x7: {  	s1 =	rddreg [dreg:$0x2];
	s5 =	sand.u32 $0xF80, s6;
	(pc) =	sbr.rel .LBB1_1-.Ltmp0, $4  }
0x8: {  	_ =	strace $0x8000004A;
	s9 =	smov.u32 s3;
	p0 =	sne.s32 s5, $0x0  }
0x9: {  	s6 =	sshrl.u32 s6, $0xC;
	s5 =	simm.s32 $0x1;
	s7 =	simm.s32 @!p0 $0x0  }
0xa: {  	[sflag:s5] =	ssyncpa.u1 $0x0;
	p0 =	por $0x0, $0x0;
	s6 =	sadd.s32 s7, s6  }
0xb: {  	[sflag:s8] =	ssyncpa.u1 $0x0;
	s8 =	simm.s32 $0x190000;
	s7 =	sadd.s32 $0x1, s6  }
.LBB1_4:
0xc: {  	s14 =	sshll.u32 s11, $0x3  }
0xd: {  	s30 =	sand.u32 $0x7F, s11;
	s15 =	sand.u32 $0xFFFFFC00, s14  }
0xe: {  	s11 =	sor.u32 s30, s15  }
0xf: {  	s15 =	smulhi.u32 $0x51EB851F, s11  }
0x10: {  	s14 =	smulhi.u32 $0x51EB851F, s14  }
0x11: {  	s15 =	sshrl.u32 s15, $0x10  }
0x12: {  	s14 =	sshrl.u32 s14, $0x10;
	s15 =	smul.u32 $0x32000, s15  }
0x13: {  	s14 =	sand.u32 $0x3F, s14  }
0x14: {  	s14 =	smul.u32 $0x6400, s14;
	s11 =	ssub.s32 s11, s15  }
0x15: {  	[tilespmem:s13+$0x810 ss:$0x81] =	vst.msk $0xffff, v2;
	s15 =	sand.u32 $0x7, s11  }
0x16: {  	[tilespmem:s13+$0x1020 ss:$0x81] =	vst.msk $0xffff, v0;
	s14 =	sadd.s32 s2, s14;
	s11 =	sshrl.u32 s11, $0x3;
	s15 =	sshll.u32 s15, $0x12  }
0x17: {  	[tilespmem:s13+$0x0 ss:$0x81] =	vst.msk $0xffff, v1;
	s11 =	sadd.s32 s11, s14;
	s31 =	sor.u32 $0x400, s15  }
0x18: {  	[hbm4b:s11+s31] =	stream.strided.scatter [tilespmem:s12], [sflag:$0x2], $0x2000, s8, s31, $0x20;
	[tilespmem:$0x8080] =	vst v63  }
.LBB1_5:
0x19: {  	s13 =	sadd.s32 $0x1000, s9  }
0x1a: {  	p2 =	sgt.s32 s13, $0x31FFF  }
0x1b: {  	s13 =	smov.u32 @p2 s3;
	p2 =	sne.s32 s10, s7  }
.Ltmp1:
0x1c: {  	p1 =	slt.u32 s10, $0x2;
	(pc) =	sbr.rel @!p2 .LBB1_6-.Ltmp1, $4  }
0x1d: {  	s12 =	simm.s32 @!p1 $0x2  }
0x1e: {  	s14 =	sadd.s32 $0x1, s10;
	_ =	swait.ge @!p1 [sflag:s12], $0x2000  }
0x1f: {  	s11 =	smov.u32 s9;
	p0 =	por !p0, !p0;
	[sflag:s12] =	ssyncset.done @!p1 $0x0  }
0x20: {  	s10 =	smov.u32 s14;
	s9 =	smov.u32 s13;
	[sflag:s12] =	ssyncadd.s32 @!p1 $0xFFFFE000  }
.LBB1_1:
0x21: {  	p1 =	sge.u32 s10, s6  }
0x22: {  	s12 =	sand.u32 @!p1 $0x1FFFFFF, s9  }
0x23: {  	s13 =	smulhi.u32 @!p1 $0x147AE15, s12;
	_ =	sdelay $0x1  }
0x24: {  	s13 =	sshrl.u32 @!p1 s13, $0xA  }
0x25: {  	s13 =	smul.u32 @!p1 $0x32000, s13;
	_ =	sdelay $0x1  }
0x26: {  	s31 =	sadd.s32 $0xFFFFFFFF, s10;
	s14 =	sxor.u32 @!p1 $0xFFFFFFFF, s10;
	s12 =	ssub.s32 @!p1 s12, s13  }
0x27: {  	s15 =	simm.s32 @!p1 $0x80;
	s14 =	sshll.u32 @!p1 s14, $0xD;
	s12 =	sshll.u32 @!p1 s12, $0x4  }
0x28: {  	s13 =	sand.u32 @!p1 $0x2000, s14;
	s14 =	simm.s32 @!p1 $0x40;
	s12 =	sadd.s32 @!p1 s4, s12  }
0x29: {  	[tilespmem:s13], [sflag:$0x1] =	stream.strided.gather @!p1 [hbm4b:s12+s14], $0x2000, s15, s14, $0x38;
	[tilespmem:$0x8080] =	vst v63  }
0x2a: {  	p1 =	sge.u32 s31, s6  }
.Ltmp2:
0x2b: {  	_ = 	snop;
	(pc) =	sbr.rel @p1 .LBB1_5-.Ltmp2, $1  }
0x2c: {  	_ =	sdelay $0x3  }
0x2d: {  	s12 =	simm.s32 $0x1  }
0x2e: {  	_ =	swait.ge [sflag:s5], $0x2000;
	s12 =	simm.s32 @!p0 $0x0  }
0x2f: {  	[sflag:s5] =	ssyncset.done $0x0;
	s13 =	sshll.u32 s12, $0xD  }
0x30: {  	[sflag:s5] =	ssyncadd.s32 $0xFFFFE000;
	s16 =	sor.u32 $0x20, s13  }
0x31: {  	s12 =	smul.u32 $0x8100, s12;
	v3 =	vld [tilespmem:s16+$0x10]  }
0x32: {  	s30 =	sand.u32 $0x1, s10;
	v2 =	vld [tilespmem:s16+$0xFFFFFFF0]  }
0x33: {  	s13 =	smul.u32 $0x8100, s30;
	s12 =	sshrl.u32 s12, $0x2;
	v0 =	vld [tilespmem:s16+$0x0]  }
0x34: {  	v1 =	vld [tilespmem:s16+$0xFFFFFFE0];
	s14 =	sor.u32 $0x4000, s12  }
0x35: {  	s31 =	sshrl.u32 s13, $0x2;
	s13 =	sadd.s32 $0x0, s14  }
0x36: {  	s15 =	simm.s32 $0x4;
	s16 =	sadd.s32 $0x40, s16;
	s12 =	sor.u32 $0x4000, s31;
	[tilespmem:s13+$0x1830 ss:$0x81] =	vst.msk $0xffff, v3  }
.LBB1_3:
0x37: {  	v3 =	vld [tilespmem:s16+$0x10];
	p1 =	sne.s32 s15, $0x1FC;
	[tilespmem:s13+$0x810 ss:$0x81] =	vst.msk $0xffff, v2;
	s17 =	smov.u32 s15;
	s15 =	sadd.s32 $0x4, s15  }
.Ltmp3:
0x38: {  	v2 =	vld [tilespmem:s16+$0xFFFFFFF0];
	[tilespmem:s13+$0x1020 ss:$0x81] =	vst.msk $0xffff, v0;
	(pc) =	sbr.rel @p1 .LBB1_3-.Ltmp3, $4  }
0x39: {  	v0 =	vld [tilespmem:s16+$0x0];
	[tilespmem:s13+$0x0 ss:$0x81] =	vst.msk $0xffff, v1  }
0x3a: {  	s13 =	sshra.s32 s17, $0x2;
	v1 =	vld [tilespmem:s16+$0xFFFFFFE0]  }
0x3b: {  	s13 =	sadd.s32 s13, s14  }
0x3c: {  	s16 =	sadd.s32 $0x40, s16;
	[tilespmem:s13+$0x1830 ss:$0x81] =	vst.msk $0xffff, v3  }
.Ltmp4:
0x3d: {  	_ = 	snop;
	(pc) =	sbr.rel .LBB1_4-.Ltmp4, $1  }
0x3e: {  	_ =	sdelay $0x3  }
.LBB1_6:
0x3f: {  	_ =	sfence.sel $0x180000  }
0x40: {  	s2 =	simm.s32 $0x1;
	[bflag:$0x0] =	sbarrier.arrive $0xFFFF  }
0x41: {  	s31 =	simm.s32 $0x2;
	[sflag:s2] =	ssyncpa.u1 $0x1  }
0x42: {  	[sflag:s31] =	ssyncpa.u1 $0x1  }
0x43: {  	p0 =	sne.s32 s0, $0x0;
	_ =	strace $0x9000004A  }
0x44: {  	s0 =	sadd.s32 @!p0 $0x100000, s1;
	[bflag:$0x2] =	sbarrier.arrive $0xFFFF  }
0x45: {  	[sflag:s0] =	ssyncadd.tile.s32 @!p0 $0x1;
	_ =	shalt  }
.Lfunc_end1:
_tile_overlayer_lowered:
.L_overlay_start_2:
0x46: {  	(tag) =	ssettag $0x2  }
0x47: {  	s0 =	rddreg [dreg:$0x0];
	s2 =	stileid.u32  }
0x48: {  	s1 =	rddreg [dreg:$0x1];
	p0 =	sne.s32 s2, $0x0  }
0x49: {  	s3 =	rddreg [dreg:$0x2];
	[bflag:$0x3] =	sbarrier.arrive $0xFFFF;
	s2 =	simm.s32 @!p0 $0x1C01  }
0x4a: {  	[timem:s3], [sflag:s2] =	dma.local @!p0 [hbm:s0], s1  }
0x4b: {  	s0 =	simm.s32 @!p0 $0x1  }
0x4c: {  	_ =	swait.ge @!p0 [sflag:s0], s1  }
0x4d: {  	s1 =	ssub.s32 @!p0 $0x0, s1;
	[sflag:s0] =	ssyncset.done @!p0 $0x0  }
0x4e: {  	[sflag:s0] =	ssyncadd.s32 @!p0 s1  }
0x4f: {  	[bflag:$0x3] =	sbarrier.arrive $0xFFFF  }
0x50: {  	_ =	shalt  }

</sc_bundles>
